<compile_context>
chip_gen: v7x
topology: tpu7x:2x2x1
jax: 0.10.2.dev20260603
libtpu: 0.0.44.dev20260713+nightly
codegen_flags: <defaults>
</compile_context>

<pallas_src>
import functools

import jax
import jax.numpy as jnp
from jax import lax
from jax.experimental import pallas as pl
from jax.experimental.pallas import tpu as pltpu
from jax.experimental.pallas import tpu_sc as plsc

B = 16384
S = 200
NUM_ITEMS_P1 = 1000001
NW = 32
CHUNK = 6400
N_BUF = 4

P_ROWS = (2048, 6144, 6144, 2048)
P_ROW0 = (0, 2048, 8192, 14336)

ROWS_BLK = 1024


def _sc_gather(x_flat, weight, rows):
    flath = rows * S
    per_w = flath // NW
    n_chunks = per_w // CHUNK
    mesh = plsc.VectorSubcoreMesh(core_axis_name="c", subcore_axis_name="s")

    @functools.partial(
        pl.kernel,
        mesh=mesh,
        out_type=jax.ShapeDtypeStruct((flath,), jnp.float32),
        scratch_types=(
            [pltpu.VMEM((CHUNK,), jnp.int32) for _ in range(N_BUF)]
            + [pltpu.VMEM((CHUNK,), jnp.float32) for _ in range(N_BUF)]
            + [pltpu.SemaphoreType.DMA for _ in range(2 * N_BUF + 4)]
        ),
    )
    def gather_kernel(x_hbm, w_hbm, out_hbm, *scr):
        N_CHUNKS = n_chunks
        PER_W = per_w
        idx = scr[:N_BUF]
        val = scr[N_BUF:2 * N_BUF]
        s_i = scr[2 * N_BUF:3 * N_BUF]
        s_w = scr[3 * N_BUF:4 * N_BUF]
        s_g = scr[4 * N_BUF:]
        wid = lax.axis_index("s") * 2 + lax.axis_index("c")
        base = wid * PER_W

        def off(i):
            return base + i * CHUNK

        idx_cp = [None] * N_CHUNKS
        g_cp = [None] * N_CHUNKS
        wb_cp = [None] * N_CHUNKS
        for i in range(min(N_BUF, N_CHUNKS)):
            idx_cp[i] = pltpu.async_copy(
                x_hbm.at[pl.ds(off(i), CHUNK)], idx[i % N_BUF], s_i[i % N_BUF])
        LAG = 2

        def start_wb(j):
            g_cp[j].wait()
            wb_cp[j] = pltpu.async_copy(
                val[j % N_BUF], out_hbm.at[pl.ds(off(j), CHUNK)],
                s_w[j % N_BUF])
            nxt = j + N_BUF
            if nxt < N_CHUNKS:
                idx_cp[nxt] = pltpu.async_copy(
                    x_hbm.at[pl.ds(off(nxt), CHUNK)],
                    idx[nxt % N_BUF], s_i[nxt % N_BUF])

        for i in range(N_CHUNKS):
            idx_cp[i].wait()
            if i >= N_BUF:
                wb_cp[i - N_BUF].wait()
            g_cp[i] = pltpu.async_copy(
                w_hbm.at[idx[i % N_BUF]], val[i % N_BUF], s_g[i % 4])
            if i >= LAG:
                start_wb(i - LAG)
        for j in range(max(0, N_CHUNKS - LAG), N_CHUNKS):
            start_wb(j)
        for j in range(max(0, N_CHUNKS - N_BUF), N_CHUNKS):
            wb_cp[j].wait()

    return gather_kernel(x_flat, weight)


def _tc_body(u_ref, len_ref, _buf_ref, o_ref):
    u = u_ref[...]
    l = len_ref[...]
    pos = lax.broadcasted_iota(jnp.int32, u.shape, 1)
    valid = pos < l
    neg_inf = jnp.float32(-jnp.inf)
    um = jnp.where(valid, u, neg_inf)
    m = jnp.max(um, axis=1, keepdims=True)
    e = jnp.where(valid, jnp.exp(u - m), 0.0)
    lse = jnp.log(jnp.sum(e, axis=1, keepdims=True)) + m
    o_ref[...] = jnp.where(valid, u - lse, neg_inf)


def _tc_body0(u_ref, len_ref, o_ref):
    _tc_body(u_ref, len_ref, None, o_ref)


def _tc_log_softmax_into(out_buf, u, lens2d, p):
    rows = P_ROWS[p]
    row0 = P_ROW0[p] // ROWS_BLK
    if p == 0:
        return pl.pallas_call(
            _tc_body0,
            grid=(rows // ROWS_BLK,),
            in_specs=[
                pl.BlockSpec((ROWS_BLK, S), lambda i: (i, 0)),
                pl.BlockSpec((ROWS_BLK, 1), lambda i: (i, 0)),
            ],
            out_specs=pl.BlockSpec((ROWS_BLK, S), lambda i: (i, 0)),
            out_shape=jax.ShapeDtypeStruct((B, S), jnp.float32),
        )(u, lens2d)
    return pl.pallas_call(
        _tc_body,
        grid=(rows // ROWS_BLK,),
        in_specs=[
            pl.BlockSpec((ROWS_BLK, S), lambda i: (i, 0)),
            pl.BlockSpec((ROWS_BLK, 1), lambda i: (i, 0)),
            pl.BlockSpec(memory_space=pl.ANY),
        ],
        out_specs=pl.BlockSpec((ROWS_BLK, S), lambda i: (row0 + i, 0)),
        out_shape=jax.ShapeDtypeStruct((B, S), jnp.float32),
        input_output_aliases={2: 0},
    )(u, lens2d, out_buf)


def kernel(x, x_lengths, weight):
    w1 = weight.reshape(NUM_ITEMS_P1)
    lens2d = x_lengths.reshape(B, 1)
    out = None
    for p, (r0, rows) in enumerate(zip(P_ROW0, P_ROWS)):
        xp = x[r0:r0 + rows].reshape(rows * S)
        up = _sc_gather(xp, w1, rows)
        out = _tc_log_softmax_into(
            out, up.reshape(rows, S), lens2d[r0:r0 + rows], p)
    return out.reshape(B, S, 1)

# --- scband reference (transcript-rebuilt; emitter-appended) ---
"""Pipeline reference for scband-torch-mnl-45844480918288 (READ-ONLY COPY).

The authoritative reference and input builder live on the scoring server;
editing this copy changes nothing except your own understanding.
"""

import jax, jax.numpy as jnp
import numpy as np

NUM_ITEMS = 1000000
PAD_IDX = NUM_ITEMS
BATCH = 16384
SEQ_LEN = 200


def setup_inputs(seed: int = 0) -> dict:
    key = jax.random.key(seed)
    k1, k2, k3 = jax.random.split(key, 3)
    # choice sets: item indices in [0, NUM_ITEMS)
    x = jax.random.randint(k1, (BATCH, SEQ_LEN), 0, NUM_ITEMS, dtype=jnp.int32)
    # number of valid items per choice set, in [1, SEQ_LEN] (>=1 to avoid empty sets)
    x_lengths = jax.random.randint(k2, (BATCH,), 1, SEQ_LEN + 1, dtype=jnp.int32)
    # utility embedding table: [num_items + 1, 1], init randn / sqrt(num_embeddings)
    weight = jax.random.normal(k3, (NUM_ITEMS + 1, 1), dtype=jnp.float32) / np.sqrt(NUM_ITEMS + 1)
    return {"x": x, "x_lengths": x_lengths, "weight": weight}


def reference(x, x_lengths, weight):
    # Embedding.forward: zero the padding row, then gather
    w = weight.at[PAD_IDX].set(0.0)
    utilities = jnp.take(w, x, axis=0)  # [B, S, 1]
    # mask out positions beyond each choice set's length with -inf
    seq_len = x.shape[1]
    pad_mask = jnp.arange(seq_len)[None, :] >= x_lengths[:, None]  # [B, S]
    utilities = jnp.where(pad_mask[:, :, None], -jnp.inf, utilities)
    # log(choice probabilities) over the choice-set dimension
    return jax.nn.log_softmax(utilities, axis=1)

if __name__ == "__main__":
    import jax
    _d = setup_inputs()
    print(jax.jit(kernel)(*tuple(_d.values())))

</pallas_src>

<mosaic_0001>
#map = affine_map<(d0, d1) -> (0)>
module attributes {stable_mosaic.version = 14 : i64} {
  func.func @gather_kernel(%arg0: i32, %arg1: i32, %arg2: memref<1228800xi32, #tpu.memory_space<hbm>>, %arg3: memref<1000001xf32, #tpu.memory_space<hbm>>, %arg4: memref<1228800xf32, #tpu.memory_space<hbm>>, %arg5: memref<6400xi32, #tpu.memory_space<vmem>>, %arg6: memref<6400xi32, #tpu.memory_space<vmem>>, %arg7: memref<6400xi32, #tpu.memory_space<vmem>>, %arg8: memref<6400xi32, #tpu.memory_space<vmem>>, %arg9: memref<6400xf32, #tpu.memory_space<vmem>>, %arg10: memref<6400xf32, #tpu.memory_space<vmem>>, %arg11: memref<6400xf32, #tpu.memory_space<vmem>>, %arg12: memref<6400xf32, #tpu.memory_space<vmem>>, %arg13: memref<!tpu.dma_semaphore, #tpu.memory_space<semaphore_mem>>, %arg14: memref<!tpu.dma_semaphore, #tpu.memory_space<semaphore_mem>>, %arg15: memref<!tpu.dma_semaphore, #tpu.memory_space<semaphore_mem>>, %arg16: memref<!tpu.dma_semaphore, #tpu.memory_space<semaphore_mem>>, %arg17: memref<!tpu.dma_semaphore, #tpu.memory_space<semaphore_mem>>, %arg18: memref<!tpu.dma_semaphore, #tpu.memory_space<semaphore_mem>>, %arg19: memref<!tpu.dma_semaphore, #tpu.memory_space<semaphore_mem>>, %arg20: memref<!tpu.dma_semaphore, #tpu.memory_space<semaphore_mem>>, %arg21: memref<!tpu.dma_semaphore, #tpu.memory_space<semaphore_mem>>, %arg22: memref<!tpu.dma_semaphore, #tpu.memory_space<semaphore_mem>>, %arg23: memref<!tpu.dma_semaphore, #tpu.memory_space<semaphore_mem>>, %arg24: memref<!tpu.dma_semaphore, #tpu.memory_space<semaphore_mem>>) attributes {dimension_semantics = [#tpu.dimension_semantics<core_parallel>, #tpu.dimension_semantics<subcore_parallel>], iteration_bounds = array<i64: 2, 16>, scalar_prefetch = 0 : i64, scratch_operands = 20 : i64, tpu.core_type = #tpu.core_type<sc_vector_subcore>, window_params = [{transform_indices = #map}, {transform_indices = #map}, {transform_indices = #map}]} {
    %mul3A = arith.constant 2 : i32
    %mul3A_0 = arith.muli %arg1, %mul3A : i32
    %add3A = arith.addi %mul3A_0, %arg0 : i32
    %mul3A_1 = arith.constant 38400 : i32
    %mul3A_2 = arith.muli %add3A, %mul3A_1 : i32
    %add3A_3 = arith.constant 0 : i32
    %add3A_4 = arith.addi %mul3A_2, %add3A_3 : i32
    %dma_start3A = tpu.memref_slice %arg2[%add3A_4] : memref<1228800xi32, #tpu.memory_space<hbm>> -> memref<6400xi32, #tpu.memory_space<hbm>>
    %dma_start3A_5 = tpu.memref_slice %arg2[%add3A_4] : memref<1228800xi32, #tpu.memory_space<hbm>> -> memref<6400xi32, #tpu.memory_space<hbm>>
    tpu.enqueue_dma source(%dma_start3A_5 : memref<6400xi32, #tpu.memory_space<hbm>>) target(%arg5 : memref<6400xi32, #tpu.memory_space<vmem>>) target_semaphore(%arg13 : memref<!tpu.dma_semaphore, #tpu.memory_space<semaphore_mem>>)
    %add3A_6 = arith.constant 6400 : i32
    %add3A_7 = arith.addi %mul3A_2, %add3A_6 : i32
    %dma_start3A_8 = tpu.memref_slice %arg2[%add3A_7] : memref<1228800xi32, #tpu.memory_space<hbm>> -> memref<6400xi32, #tpu.memory_space<hbm>>
    %dma_start3A_9 = tpu.memref_slice %arg2[%add3A_7] : memref<1228800xi32, #tpu.memory_space<hbm>> -> memref<6400xi32, #tpu.memory_space<hbm>>
    tpu.enqueue_dma source(%dma_start3A_9 : memref<6400xi32, #tpu.memory_space<hbm>>) target(%arg6 : memref<6400xi32, #tpu.memory_space<vmem>>) target_semaphore(%arg14 : memref<!tpu.dma_semaphore, #tpu.memory_space<semaphore_mem>>)
    %add3A_10 = arith.constant 12800 : i32
    %add3A_11 = arith.addi %mul3A_2, %add3A_10 : i32
    %dma_start3A_12 = tpu.memref_slice %arg2[%add3A_11] : memref<1228800xi32, #tpu.memory_space<hbm>> -> memref<6400xi32, #tpu.memory_space<hbm>>
    %dma_start3A_13 = tpu.memref_slice %arg2[%add3A_11] : memref<1228800xi32, #tpu.memory_space<hbm>> -> memref<6400xi32, #tpu.memory_space<hbm>>
    tpu.enqueue_dma source(%dma_start3A_13 : memref<6400xi32, #tpu.memory_space<hbm>>) target(%arg7 : memref<6400xi32, #tpu.memory_space<vmem>>) target_semaphore(%arg15 : memref<!tpu.dma_semaphore, #tpu.memory_space<semaphore_mem>>)
    %add3A_14 = arith.constant 19200 : i32
    %add3A_15 = arith.addi %mul3A_2, %add3A_14 : i32
    %dma_start3A_16 = tpu.memref_slice %arg2[%add3A_15] : memref<1228800xi32, #tpu.memory_space<hbm>> -> memref<6400xi32, #tpu.memory_space<hbm>>
    %dma_start3A_17 = tpu.memref_slice %arg2[%add3A_15] : memref<1228800xi32, #tpu.memory_space<hbm>> -> memref<6400xi32, #tpu.memory_space<hbm>>
    tpu.enqueue_dma source(%dma_start3A_17 : memref<6400xi32, #tpu.memory_space<hbm>>) target(%arg8 : memref<6400xi32, #tpu.memory_space<vmem>>) target_semaphore(%arg16 : memref<!tpu.dma_semaphore, #tpu.memory_space<semaphore_mem>>)
    %dma_wait3A = tpu.memref_slice %arg2[%add3A_4] : memref<1228800xi32, #tpu.memory_space<hbm>> -> memref<6400xi32, #tpu.memory_space<hbm>>
    %dma_wait3A_18 = tpu.memref_slice %arg2[%add3A_4] : memref<1228800xi32, #tpu.memory_space<hbm>> -> memref<6400xi32, #tpu.memory_space<hbm>>
    tpu.wait_dma2 semaphore(%arg13 : memref<!tpu.dma_semaphore, #tpu.memory_space<semaphore_mem>>) src(%dma_wait3A_18 : memref<6400xi32, #tpu.memory_space<hbm>>) dst(%arg5 : memref<6400xi32, #tpu.memory_space<vmem>>)
    %dma_start3A_19 = arith.constant 0 : i32
    %dma_start3A_20 = tpu.memref_slice %arg3[%dma_start3A_19] : memref<1000001xf32, #tpu.memory_space<hbm>> -> memref<1000001xf32, #tpu.memory_space<hbm>>
    tpu.enqueue_indirect_dma source(%dma_start3A_20 : memref<1000001xf32, #tpu.memory_space<hbm>>) target(%arg9 : memref<6400xf32, #tpu.memory_space<vmem>>) offsets(%arg5 : memref<6400xi32, #tpu.memory_space<vmem>>) semaphore(%arg21 : memref<!tpu.dma_semaphore, #tpu.memory_space<semaphore_mem>>)
    %dma_wait3A_21 = tpu.memref_slice %arg2[%add3A_7] : memref<1228800xi32, #tpu.memory_space<hbm>> -> memref<6400xi32, #tpu.memory_space<hbm>>
    %dma_wait3A_22 = tpu.memref_slice %arg2[%add3A_7] : memref<1228800xi32, #tpu.memory_space<hbm>> -> memref<6400xi32, #tpu.memory_space<hbm>>
    tpu.wait_dma2 semaphore(%arg14 : memref<!tpu.dma_semaphore, #tpu.memory_space<semaphore_mem>>) src(%dma_wait3A_22 : memref<6400xi32, #tpu.memory_space<hbm>>) dst(%arg6 : memref<6400xi32, #tpu.memory_space<vmem>>)
    %dma_start3A_23 = arith.constant 0 : i32
    %dma_start3A_24 = tpu.memref_slice %arg3[%dma_start3A_23] : memref<1000001xf32, #tpu.memory_space<hbm>> -> memref<1000001xf32, #tpu.memory_space<hbm>>
    tpu.enqueue_indirect_dma source(%dma_start3A_24 : memref<1000001xf32, #tpu.memory_space<hbm>>) target(%arg10 : memref<6400xf32, #tpu.memory_space<vmem>>) offsets(%arg6 : memref<6400xi32, #tpu.memory_space<vmem>>) semaphore(%arg22 : memref<!tpu.dma_semaphore, #tpu.memory_space<semaphore_mem>>)
    %dma_wait3A_25 = tpu.memref_slice %arg2[%add3A_11] : memref<1228800xi32, #tpu.memory_space<hbm>> -> memref<6400xi32, #tpu.memory_space<hbm>>
    %dma_wait3A_26 = tpu.memref_slice %arg2[%add3A_11] : memref<1228800xi32, #tpu.memory_space<hbm>> -> memref<6400xi32, #tpu.memory_space<hbm>>
    tpu.wait_dma2 semaphore(%arg15 : memref<!tpu.dma_semaphore, #tpu.memory_space<semaphore_mem>>) src(%dma_wait3A_26 : memref<6400xi32, #tpu.memory_space<hbm>>) dst(%arg7 : memref<6400xi32, #tpu.memory_space<vmem>>)
    %dma_start3A_27 = arith.constant 0 : i32
    %dma_start3A_28 = tpu.memref_slice %arg3[%dma_start3A_27] : memref<1000001xf32, #tpu.memory_space<hbm>> -> memref<1000001xf32, #tpu.memory_space<hbm>>
    tpu.enqueue_indirect_dma source(%dma_start3A_28 : memref<1000001xf32, #tpu.memory_space<hbm>>) target(%arg11 : memref<6400xf32, #tpu.memory_space<vmem>>) offsets(%arg7 : memref<6400xi32, #tpu.memory_space<vmem>>) semaphore(%arg23 : memref<!tpu.dma_semaphore, #tpu.memory_space<semaphore_mem>>)
    %dma_wait3A_29 = arith.constant 0 : i32
    %dma_wait3A_30 = tpu.memref_slice %arg3[%dma_wait3A_29] : memref<1000001xf32, #tpu.memory_space<hbm>> -> memref<1000001xf32, #tpu.memory_space<hbm>>
    tpu.wait_indirect_dma semaphore(%arg21 : memref<!tpu.dma_semaphore, #tpu.memory_space<semaphore_mem>>) src(%dma_wait3A_30 : memref<1000001xf32, #tpu.memory_space<hbm>>) dst(%arg9 : memref<6400xf32, #tpu.memory_space<vmem>>)
    %add3A_31 = arith.constant 0 : i32
    %add3A_32 = arith.addi %mul3A_2, %add3A_31 : i32
    %dma_start3A_33 = tpu.memref_slice %arg4[%add3A_32] : memref<1228800xf32, #tpu.memory_space<hbm>> -> memref<6400xf32, #tpu.memory_space<hbm>>
    %dma_start3A_34 = tpu.memref_slice %arg4[%add3A_32] : memref<1228800xf32, #tpu.memory_space<hbm>> -> memref<6400xf32, #tpu.memory_space<hbm>>
    tpu.enqueue_dma source(%arg9 : memref<6400xf32, #tpu.memory_space<vmem>>) target(%dma_start3A_34 : memref<6400xf32, #tpu.memory_space<hbm>>) target_semaphore(%arg17 : memref<!tpu.dma_semaphore, #tpu.memory_space<semaphore_mem>>)
    %add3A_35 = arith.constant 25600 : i32
    %add3A_36 = arith.addi %mul3A_2, %add3A_35 : i32
    %dma_start3A_37 = tpu.memref_slice %arg2[%add3A_36] : memref<1228800xi32, #tpu.memory_space<hbm>> -> memref<6400xi32, #tpu.memory_space<hbm>>
    %dma_start3A_38 = tpu.memref_slice %arg2[%add3A_36] : memref<1228800xi32, #tpu.memory_space<hbm>> -> memref<6400xi32, #tpu.memory_space<hbm>>
    tpu.enqueue_dma source(%dma_start3A_38 : memref<6400xi32, #tpu.memory_space<hbm>>) target(%arg5 : memref<6400xi32, #tpu.memory_space<vmem>>) target_semaphore(%arg13 : memref<!tpu.dma_semaphore, #tpu.memory_space<semaphore_mem>>)
    %dma_wait3A_39 = tpu.memref_slice %arg2[%add3A_15] : memref<1228800xi32, #tpu.memory_space<hbm>> -> memref<6400xi32, #tpu.memory_space<hbm>>
    %dma_wait3A_40 = tpu.memref_slice %arg2[%add3A_15] : memref<1228800xi32, #tpu.memory_space<hbm>> -> memref<6400xi32, #tpu.memory_space<hbm>>
    tpu.wait_dma2 semaphore(%arg16 : memref<!tpu.dma_semaphore, #tpu.memory_space<semaphore_mem>>) src(%dma_wait3A_40 : memref<6400xi32, #tpu.memory_space<hbm>>) dst(%arg8 : memref<6400xi32, #tpu.memory_space<vmem>>)
    %dma_start3A_41 = arith.constant 0 : i32
    %dma_start3A_42 = tpu.memref_slice %arg3[%dma_start3A_41] : memref<1000001xf32, #tpu.memory_space<hbm>> -> memref<1000001xf32, #tpu.memory_space<hbm>>
    tpu.enqueue_indirect_dma source(%dma_start3A_42 : memref<1000001xf32, #tpu.memory_space<hbm>>) target(%arg12 : memref<6400xf32, #tpu.memory_space<vmem>>) offsets(%arg8 : memref<6400xi32, #tpu.memory_space<vmem>>) semaphore(%arg24 : memref<!tpu.dma_semaphore, #tpu.memory_space<semaphore_mem>>)
    %dma_wait3A_43 = arith.constant 0 : i32
    %dma_wait3A_44 = tpu.memref_slice %arg3[%dma_wait3A_43] : memref<1000001xf32, #tpu.memory_space<hbm>> -> memref<1000001xf32, #tpu.memory_space<hbm>>
    tpu.wait_indirect_dma semaphore(%arg22 : memref<!tpu.dma_semaphore, #tpu.memory_space<semaphore_mem>>) src(%dma_wait3A_44 : memref<1000001xf32, #tpu.memory_space<hbm>>) dst(%arg10 : memref<6400xf32, #tpu.memory_space<vmem>>)
    %add3A_45 = arith.constant 6400 : i32
    %add3A_46 = arith.addi %mul3A_2, %add3A_45 : i32
    %dma_start3A_47 = tpu.memref_slice %arg4[%add3A_46] : memref<1228800xf32, #tpu.memory_space<hbm>> -> memref<6400xf32, #tpu.memory_space<hbm>>
    %dma_start3A_48 = tpu.memref_slice %arg4[%add3A_46] : memref<1228800xf32, #tpu.memory_space<hbm>> -> memref<6400xf32, #tpu.memory_space<hbm>>
    tpu.enqueue_dma source(%arg10 : memref<6400xf32, #tpu.memory_space<vmem>>) target(%dma_start3A_48 : memref<6400xf32, #tpu.memory_space<hbm>>) target_semaphore(%arg18 : memref<!tpu.dma_semaphore, #tpu.memory_space<semaphore_mem>>)
    %add3A_49 = arith.constant 32000 : i32
    %add3A_50 = arith.addi %mul3A_2, %add3A_49 : i32
    %dma_start3A_51 = tpu.memref_slice %arg2[%add3A_50] : memref<1228800xi32, #tpu.memory_space<hbm>> -> memref<6400xi32, #tpu.memory_space<hbm>>
    %dma_start3A_52 = tpu.memref_slice %arg2[%add3A_50] : memref<1228800xi32, #tpu.memory_space<hbm>> -> memref<6400xi32, #tpu.memory_space<hbm>>
    tpu.enqueue_dma source(%dma_start3A_52 : memref<6400xi32, #tpu.memory_space<hbm>>) target(%arg6 : memref<6400xi32, #tpu.memory_space<vmem>>) target_semaphore(%arg14 : memref<!tpu.dma_semaphore, #tpu.memory_space<semaphore_mem>>)
    %dma_wait3A_53 = tpu.memref_slice %arg2[%add3A_36] : memref<1228800xi32, #tpu.memory_space<hbm>> -> memref<6400xi32, #tpu.memory_space<hbm>>
    %dma_wait3A_54 = tpu.memref_slice %arg2[%add3A_36] : memref<1228800xi32, #tpu.memory_space<hbm>> -> memref<6400xi32, #tpu.memory_space<hbm>>
    tpu.wait_dma2 semaphore(%arg13 : memref<!tpu.dma_semaphore, #tpu.memory_space<semaphore_mem>>) src(%dma_wait3A_54 : memref<6400xi32, #tpu.memory_space<hbm>>) dst(%arg5 : memref<6400xi32, #tpu.memory_space<vmem>>)
    %dma_wait3A_55 = tpu.memref_slice %arg4[%add3A_32] : memref<1228800xf32, #tpu.memory_space<hbm>> -> memref<6400xf32, #tpu.memory_space<hbm>>
    %dma_wait3A_56 = tpu.memref_slice %arg4[%add3A_32] : memref<1228800xf32, #tpu.memory_space<hbm>> -> memref<6400xf32, #tpu.memory_space<hbm>>
    tpu.wait_dma2 semaphore(%arg17 : memref<!tpu.dma_semaphore, #tpu.memory_space<semaphore_mem>>) src(%arg9 : memref<6400xf32, #tpu.memory_space<vmem>>) dst(%dma_wait3A_56 : memref<6400xf32, #tpu.memory_space<hbm>>)
    %dma_start3A_57 = arith.constant 0 : i32
    %dma_start3A_58 = tpu.memref_slice %arg3[%dma_start3A_57] : memref<1000001xf32, #tpu.memory_space<hbm>> -> memref<1000001xf32, #tpu.memory_space<hbm>>
    tpu.enqueue_indirect_dma source(%dma_start3A_58 : memref<1000001xf32, #tpu.memory_space<hbm>>) target(%arg9 : memref<6400xf32, #tpu.memory_space<vmem>>) offsets(%arg5 : memref<6400xi32, #tpu.memory_space<vmem>>) semaphore(%arg21 : memref<!tpu.dma_semaphore, #tpu.memory_space<semaphore_mem>>)
    %dma_wait3A_59 = arith.constant 0 : i32
    %dma_wait3A_60 = tpu.memref_slice %arg3[%dma_wait3A_59] : memref<1000001xf32, #tpu.memory_space<hbm>> -> memref<1000001xf32, #tpu.memory_space<hbm>>
    tpu.wait_indirect_dma semaphore(%arg23 : memref<!tpu.dma_semaphore, #tpu.memory_space<semaphore_mem>>) src(%dma_wait3A_60 : memref<1000001xf32, #tpu.memory_space<hbm>>) dst(%arg11 : memref<6400xf32, #tpu.memory_space<vmem>>)
    %add3A_61 = arith.constant 12800 : i32
    %add3A_62 = arith.addi %mul3A_2, %add3A_61 : i32
    %dma_start3A_63 = tpu.memref_slice %arg4[%add3A_62] : memref<1228800xf32, #tpu.memory_space<hbm>> -> memref<6400xf32, #tpu.memory_space<hbm>>
    %dma_start3A_64 = tpu.memref_slice %arg4[%add3A_62] : memref<1228800xf32, #tpu.memory_space<hbm>> -> memref<6400xf32, #tpu.memory_space<hbm>>
    tpu.enqueue_dma source(%arg11 : memref<6400xf32, #tpu.memory_space<vmem>>) target(%dma_start3A_64 : memref<6400xf32, #tpu.memory_space<hbm>>) target_semaphore(%arg19 : memref<!tpu.dma_semaphore, #tpu.memory_space<semaphore_mem>>)
    %dma_wait3A_65 = tpu.memref_slice %arg2[%add3A_50] : memref<1228800xi32, #tpu.memory_space<hbm>> -> memref<6400xi32, #tpu.memory_space<hbm>>
    %dma_wait3A_66 = tpu.memref_slice %arg2[%add3A_50] : memref<1228800xi32, #tpu.memory_space<hbm>> -> memref<6400xi32, #tpu.memory_space<hbm>>
    tpu.wait_dma2 semaphore(%arg14 : memref<!tpu.dma_semaphore, #tpu.memory_space<semaphore_mem>>) src(%dma_wait3A_66 : memref<6400xi32, #tpu.memory_space<hbm>>) dst(%arg6 : memref<6400xi32, #tpu.memory_space<vmem>>)
    %dma_wait3A_67 = tpu.memref_slice %arg4[%add3A_46] : memref<1228800xf32, #tpu.memory_space<hbm>> -> memref<6400xf32, #tpu.memory_space<hbm>>
    %dma_wait3A_68 = tpu.memref_slice %arg4[%add3A_46] : memref<1228800xf32, #tpu.memory_space<hbm>> -> memref<6400xf32, #tpu.memory_space<hbm>>
    tpu.wait_dma2 semaphore(%arg18 : memref<!tpu.dma_semaphore, #tpu.memory_space<semaphore_mem>>) src(%arg10 : memref<6400xf32, #tpu.memory_space<vmem>>) dst(%dma_wait3A_68 : memref<6400xf32, #tpu.memory_space<hbm>>)
    %dma_start3A_69 = arith.constant 0 : i32
    %dma_start3A_70 = tpu.memref_slice %arg3[%dma_start3A_69] : memref<1000001xf32, #tpu.memory_space<hbm>> -> memref<1000001xf32, #tpu.memory_space<hbm>>
    tpu.enqueue_indirect_dma source(%dma_start3A_70 : memref<1000001xf32, #tpu.memory_space<hbm>>) target(%arg10 : memref<6400xf32, #tpu.memory_space<vmem>>) offsets(%arg6 : memref<6400xi32, #tpu.memory_space<vmem>>) semaphore(%arg22 : memref<!tpu.dma_semaphore, #tpu.memory_space<semaphore_mem>>)
    %dma_wait3A_71 = arith.constant 0 : i32
    %dma_wait3A_72 = tpu.memref_slice %arg3[%dma_wait3A_71] : memref<1000001xf32, #tpu.memory_space<hbm>> -> memref<1000001xf32, #tpu.memory_space<hbm>>
    tpu.wait_indirect_dma semaphore(%arg24 : memref<!tpu.dma_semaphore, #tpu.memory_space<semaphore_mem>>) src(%dma_wait3A_72 : memref<1000001xf32, #tpu.memory_space<hbm>>) dst(%arg12 : memref<6400xf32, #tpu.memory_space<vmem>>)
    %add3A_73 = arith.constant 19200 : i32
    %add3A_74 = arith.addi %mul3A_2, %add3A_73 : i32
    %dma_start3A_75 = tpu.memref_slice %arg4[%add3A_74] : memref<1228800xf32, #tpu.memory_space<hbm>> -> memref<6400xf32, #tpu.memory_space<hbm>>
    %dma_start3A_76 = tpu.memref_slice %arg4[%add3A_74] : memref<1228800xf32, #tpu.memory_space<hbm>> -> memref<6400xf32, #tpu.memory_space<hbm>>
    tpu.enqueue_dma source(%arg12 : memref<6400xf32, #tpu.memory_space<vmem>>) target(%dma_start3A_76 : memref<6400xf32, #tpu.memory_space<hbm>>) target_semaphore(%arg20 : memref<!tpu.dma_semaphore, #tpu.memory_space<semaphore_mem>>)
    %dma_wait3A_77 = arith.constant 0 : i32
    %dma_wait3A_78 = tpu.memref_slice %arg3[%dma_wait3A_77] : memref<1000001xf32, #tpu.memory_space<hbm>> -> memref<1000001xf32, #tpu.memory_space<hbm>>
    tpu.wait_indirect_dma semaphore(%arg21 : memref<!tpu.dma_semaphore, #tpu.memory_space<semaphore_mem>>) src(%dma_wait3A_78 : memref<1000001xf32, #tpu.memory_space<hbm>>) dst(%arg9 : memref<6400xf32, #tpu.memory_space<vmem>>)
    %add3A_79 = arith.constant 25600 : i32
    %add3A_80 = arith.addi %mul3A_2, %add3A_79 : i32
    %dma_start3A_81 = tpu.memref_slice %arg4[%add3A_80] : memref<1228800xf32, #tpu.memory_space<hbm>> -> memref<6400xf32, #tpu.memory_space<hbm>>
    %dma_start3A_82 = tpu.memref_slice %arg4[%add3A_80] : memref<1228800xf32, #tpu.memory_space<hbm>> -> memref<6400xf32, #tpu.memory_space<hbm>>
    tpu.enqueue_dma source(%arg9 : memref<6400xf32, #tpu.memory_space<vmem>>) target(%dma_start3A_82 : memref<6400xf32, #tpu.memory_space<hbm>>) target_semaphore(%arg17 : memref<!tpu.dma_semaphore, #tpu.memory_space<semaphore_mem>>)
    %dma_wait3A_83 = arith.constant 0 : i32
    %dma_wait3A_84 = tpu.memref_slice %arg3[%dma_wait3A_83] : memref<1000001xf32, #tpu.memory_space<hbm>> -> memref<1000001xf32, #tpu.memory_space<hbm>>
    tpu.wait_indirect_dma semaphore(%arg22 : memref<!tpu.dma_semaphore, #tpu.memory_space<semaphore_mem>>) src(%dma_wait3A_84 : memref<1000001xf32, #tpu.memory_space<hbm>>) dst(%arg10 : memref<6400xf32, #tpu.memory_space<vmem>>)
    %add3A_85 = arith.constant 32000 : i32
    %add3A_86 = arith.addi %mul3A_2, %add3A_85 : i32
    %dma_start3A_87 = tpu.memref_slice %arg4[%add3A_86] : memref<1228800xf32, #tpu.memory_space<hbm>> -> memref<6400xf32, #tpu.memory_space<hbm>>
    %dma_start3A_88 = tpu.memref_slice %arg4[%add3A_86] : memref<1228800xf32, #tpu.memory_space<hbm>> -> memref<6400xf32, #tpu.memory_space<hbm>>
    tpu.enqueue_dma source(%arg10 : memref<6400xf32, #tpu.memory_space<vmem>>) target(%dma_start3A_88 : memref<6400xf32, #tpu.memory_space<hbm>>) target_semaphore(%arg18 : memref<!tpu.dma_semaphore, #tpu.memory_space<semaphore_mem>>)
    %dma_wait3A_89 = tpu.memref_slice %arg4[%add3A_62] : memref<1228800xf32, #tpu.memory_space<hbm>> -> memref<6400xf32, #tpu.memory_space<hbm>>
    %dma_wait3A_90 = tpu.memref_slice %arg4[%add3A_62] : memref<1228800xf32, #tpu.memory_space<hbm>> -> memref<6400xf32, #tpu.memory_space<hbm>>
    tpu.wait_dma2 semaphore(%arg19 : memref<!tpu.dma_semaphore, #tpu.memory_space<semaphore_mem>>) src(%arg11 : memref<6400xf32, #tpu.memory_space<vmem>>) dst(%dma_wait3A_90 : memref<6400xf32, #tpu.memory_space<hbm>>)
    %dma_wait3A_91 = tpu.memref_slice %arg4[%add3A_74] : memref<1228800xf32, #tpu.memory_space<hbm>> -> memref<6400xf32, #tpu.memory_space<hbm>>
    %dma_wait3A_92 = tpu.memref_slice %arg4[%add3A_74] : memref<1228800xf32, #tpu.memory_space<hbm>> -> memref<6400xf32, #tpu.memory_space<hbm>>
    tpu.wait_dma2 semaphore(%arg20 : memref<!tpu.dma_semaphore, #tpu.memory_space<semaphore_mem>>) src(%arg12 : memref<6400xf32, #tpu.memory_space<vmem>>) dst(%dma_wait3A_92 : memref<6400xf32, #tpu.memory_space<hbm>>)
    %dma_wait3A_93 = tpu.memref_slice %arg4[%add3A_80] : memref<1228800xf32, #tpu.memory_space<hbm>> -> memref<6400xf32, #tpu.memory_space<hbm>>
    %dma_wait3A_94 = tpu.memref_slice %arg4[%add3A_80] : memref<1228800xf32, #tpu.memory_space<hbm>> -> memref<6400xf32, #tpu.memory_space<hbm>>
    tpu.wait_dma2 semaphore(%arg17 : memref<!tpu.dma_semaphore, #tpu.memory_space<semaphore_mem>>) src(%arg9 : memref<6400xf32, #tpu.memory_space<vmem>>) dst(%dma_wait3A_94 : memref<6400xf32, #tpu.memory_space<hbm>>)
    %dma_wait3A_95 = tpu.memref_slice %arg4[%add3A_86] : memref<1228800xf32, #tpu.memory_space<hbm>> -> memref<6400xf32, #tpu.memory_space<hbm>>
    %dma_wait3A_96 = tpu.memref_slice %arg4[%add3A_86] : memref<1228800xf32, #tpu.memory_space<hbm>> -> memref<6400xf32, #tpu.memory_space<hbm>>
    tpu.wait_dma2 semaphore(%arg18 : memref<!tpu.dma_semaphore, #tpu.memory_space<semaphore_mem>>) src(%arg10 : memref<6400xf32, #tpu.memory_space<vmem>>) dst(%dma_wait3A_96 : memref<6400xf32, #tpu.memory_space<hbm>>)
    return
  }
}

#map = affine_map<(d0, d1) -> (0)>
module attributes {stable_mosaic.version = 14 : i64} {
  func.func @gather_kernel(%arg0: i32, %arg1: i32, %arg2: memref<409600xi32, #tpu.memory_space<hbm>>, %arg3: memref<1000001xf32, #tpu.memory_space<hbm>>, %arg4: memref<409600xf32, #tpu.memory_space<hbm>>, %arg5: memref<6400xi32, #tpu.memory_space<vmem>>, %arg6: memref<6400xi32, #tpu.memory_space<vmem>>, %arg7: memref<6400xi32, #tpu.memory_space<vmem>>, %arg8: memref<6400xi32, #tpu.memory_space<vmem>>, %arg9: memref<6400xf32, #tpu.memory_space<vmem>>, %arg10: memref<6400xf32, #tpu.memory_space<vmem>>, %arg11: memref<6400xf32, #tpu.memory_space<vmem>>, %arg12: memref<6400xf32, #tpu.memory_space<vmem>>, %arg13: memref<!tpu.dma_semaphore, #tpu.memory_space<semaphore_mem>>, %arg14: memref<!tpu.dma_semaphore, #tpu.memory_space<semaphore_mem>>, %arg15: memref<!tpu.dma_semaphore, #tpu.memory_space<semaphore_mem>>, %arg16: memref<!tpu.dma_semaphore, #tpu.memory_space<semaphore_mem>>, %arg17: memref<!tpu.dma_semaphore, #tpu.memory_space<semaphore_mem>>, %arg18: memref<!tpu.dma_semaphore, #tpu.memory_space<semaphore_mem>>, %arg19: memref<!tpu.dma_semaphore, #tpu.memory_space<semaphore_mem>>, %arg20: memref<!tpu.dma_semaphore, #tpu.memory_space<semaphore_mem>>, %arg21: memref<!tpu.dma_semaphore, #tpu.memory_space<semaphore_mem>>, %arg22: memref<!tpu.dma_semaphore, #tpu.memory_space<semaphore_mem>>, %arg23: memref<!tpu.dma_semaphore, #tpu.memory_space<semaphore_mem>>, %arg24: memref<!tpu.dma_semaphore, #tpu.memory_space<semaphore_mem>>) attributes {dimension_semantics = [#tpu.dimension_semantics<core_parallel>, #tpu.dimension_semantics<subcore_parallel>], iteration_bounds = array<i64: 2, 16>, scalar_prefetch = 0 : i64, scratch_operands = 20 : i64, tpu.core_type = #tpu.core_type<sc_vector_subcore>, window_params = [{transform_indices = #map}, {transform_indices = #map}, {transform_indices = #map}]} {
    %mul3A = arith.constant 2 : i32
    %mul3A_0 = arith.muli %arg1, %mul3A : i32
    %add3A = arith.addi %mul3A_0, %arg0 : i32
    %mul3A_1 = arith.constant 12800 : i32
    %mul3A_2 = arith.muli %add3A, %mul3A_1 : i32
    %add3A_3 = arith.constant 0 : i32
    %add3A_4 = arith.addi %mul3A_2, %add3A_3 : i32
    %dma_start3A = tpu.memref_slice %arg2[%add3A_4] : memref<409600xi32, #tpu.memory_space<hbm>> -> memref<6400xi32, #tpu.memory_space<hbm>>
    %dma_start3A_5 = tpu.memref_slice %arg2[%add3A_4] : memref<409600xi32, #tpu.memory_space<hbm>> -> memref<6400xi32, #tpu.memory_space<hbm>>
    tpu.enqueue_dma source(%dma_start3A_5 : memref<6400xi32, #tpu.memory_space<hbm>>) target(%arg5 : memref<6400xi32, #tpu.memory_space<vmem>>) target_semaphore(%arg13 : memref<!tpu.dma_semaphore, #tpu.memory_space<semaphore_mem>>)
    %add3A_6 = arith.constant 6400 : i32
    %add3A_7 = arith.addi %mul3A_2, %add3A_6 : i32
    %dma_start3A_8 = tpu.memref_slice %arg2[%add3A_7] : memref<409600xi32, #tpu.memory_space<hbm>> -> memref<6400xi32, #tpu.memory_space<hbm>>
    %dma_start3A_9 = tpu.memref_slice %arg2[%add3A_7] : memref<409600xi32, #tpu.memory_space<hbm>> -> memref<6400xi32, #tpu.memory_space<hbm>>
    tpu.enqueue_dma source(%dma_start3A_9 : memref<6400xi32, #tpu.memory_space<hbm>>) target(%arg6 : memref<6400xi32, #tpu.memory_space<vmem>>) target_semaphore(%arg14 : memref<!tpu.dma_semaphore, #tpu.memory_space<semaphore_mem>>)
    %dma_wait3A = tpu.memref_slice %arg2[%add3A_4] : memref<409600xi32, #tpu.memory_space<hbm>> -> memref<6400xi32, #tpu.memory_space<hbm>>
    %dma_wait3A_10 = tpu.memref_slice %arg2[%add3A_4] : memref<409600xi32, #tpu.memory_space<hbm>> -> memref<6400xi32, #tpu.memory_space<hbm>>
    tpu.wait_dma2 semaphore(%arg13 : memref<!tpu.dma_semaphore, #tpu.memory_space<semaphore_mem>>) src(%dma_wait3A_10 : memref<6400xi32, #tpu.memory_space<hbm>>) dst(%arg5 : memref<6400xi32, #tpu.memory_space<vmem>>)
    %dma_start3A_11 = arith.constant 0 : i32
    %dma_start3A_12 = tpu.memref_slice %arg3[%dma_start3A_11] : memref<1000001xf32, #tpu.memory_space<hbm>> -> memref<1000001xf32, #tpu.memory_space<hbm>>
    tpu.enqueue_indirect_dma source(%dma_start3A_12 : memref<1000001xf32, #tpu.memory_space<hbm>>) target(%arg9 : memref<6400xf32, #tpu.memory_space<vmem>>) offsets(%arg5 : memref<6400xi32, #tpu.memory_space<vmem>>) semaphore(%arg21 : memref<!tpu.dma_semaphore, #tpu.memory_space<semaphore_mem>>)
    %dma_wait3A_13 = tpu.memref_slice %arg2[%add3A_7] : memref<409600xi32, #tpu.memory_space<hbm>> -> memref<6400xi32, #tpu.memory_space<hbm>>
    %dma_wait3A_14 = tpu.memref_slice %arg2[%add3A_7] : memref<409600xi32, #tpu.memory_space<hbm>> -> memref<6400xi32, #tpu.memory_space<hbm>>
    tpu.wait_dma2 semaphore(%arg14 : memref<!tpu.dma_semaphore, #tpu.memory_space<semaphore_mem>>) src(%dma_wait3A_14 : memref<6400xi32, #tpu.memory_space<hbm>>) dst(%arg6 : memref<6400xi32, #tpu.memory_space<vmem>>)
    %dma_start3A_15 = arith.constant 0 : i32
    %dma_start3A_16 = tpu.memref_slice %arg3[%dma_start3A_15] : memref<1000001xf32, #tpu.memory_space<hbm>> -> memref<1000001xf32, #tpu.memory_space<hbm>>
    tpu.enqueue_indirect_dma source(%dma_start3A_16 : memref<1000001xf32, #tpu.memory_space<hbm>>) target(%arg10 : memref<6400xf32, #tpu.memory_space<vmem>>) offsets(%arg6 : memref<6400xi32, #tpu.memory_space<vmem>>) semaphore(%arg22 : memref<!tpu.dma_semaphore, #tpu.memory_space<semaphore_mem>>)
    %dma_wait3A_17 = arith.constant 0 : i32
    %dma_wait3A_18 = tpu.memref_slice %arg3[%dma_wait3A_17] : memref<1000001xf32, #tpu.memory_space<hbm>> -> memref<1000001xf32, #tpu.memory_space<hbm>>
    tpu.wait_indirect_dma semaphore(%arg21 : memref<!tpu.dma_semaphore, #tpu.memory_space<semaphore_mem>>) src(%dma_wait3A_18 : memref<1000001xf32, #tpu.memory_space<hbm>>) dst(%arg9 : memref<6400xf32, #tpu.memory_space<vmem>>)
    %add3A_19 = arith.constant 0 : i32
    %add3A_20 = arith.addi %mul3A_2, %add3A_19 : i32
    %dma_start3A_21 = tpu.memref_slice %arg4[%add3A_20] : memref<409600xf32, #tpu.memory_space<hbm>> -> memref<6400xf32, #tpu.memory_space<hbm>>
    %dma_start3A_22 = tpu.memref_slice %arg4[%add3A_20] : memref<409600xf32, #tpu.memory_space<hbm>> -> memref<6400xf32, #tpu.memory_space<hbm>>
    tpu.enqueue_dma source(%arg9 : memref<6400xf32, #tpu.memory_space<vmem>>) target(%dma_start3A_22 : memref<6400xf32, #tpu.memory_space<hbm>>) target_semaphore(%arg17 : memref<!tpu.dma_semaphore, #tpu.memory_space<semaphore_mem>>)
    %dma_wait3A_23 = arith.constant 0 : i32
    %dma_wait3A_24 = tpu.memref_slice %arg3[%dma_wait3A_23] : memref<1000001xf32, #tpu.memory_space<hbm>> -> memref<1000001xf32, #tpu.memory_space<hbm>>
    tpu.wait_indirect_dma semaphore(%arg22 : memref<!tpu.dma_semaphore, #tpu.memory_space<semaphore_mem>>) src(%dma_wait3A_24 : memref<1000001xf32, #tpu.memory_space<hbm>>) dst(%arg10 : memref<6400xf32, #tpu.memory_space<vmem>>)
    %add3A_25 = arith.constant 6400 : i32
    %add3A_26 = arith.addi %mul3A_2, %add3A_25 : i32
    %dma_start3A_27 = tpu.memref_slice %arg4[%add3A_26] : memref<409600xf32, #tpu.memory_space<hbm>> -> memref<6400xf32, #tpu.memory_space<hbm>>
    %dma_start3A_28 = tpu.memref_slice %arg4[%add3A_26] : memref<409600xf32, #tpu.memory_space<hbm>> -> memref<6400xf32, #tpu.memory_space<hbm>>
    tpu.enqueue_dma source(%arg10 : memref<6400xf32, #tpu.memory_space<vmem>>) target(%dma_start3A_28 : memref<6400xf32, #tpu.memory_space<hbm>>) target_semaphore(%arg18 : memref<!tpu.dma_semaphore, #tpu.memory_space<semaphore_mem>>)
    %dma_wait3A_29 = tpu.memref_slice %arg4[%add3A_20] : memref<409600xf32, #tpu.memory_space<hbm>> -> memref<6400xf32, #tpu.memory_space<hbm>>
    %dma_wait3A_30 = tpu.memref_slice %arg4[%add3A_20] : memref<409600xf32, #tpu.memory_space<hbm>> -> memref<6400xf32, #tpu.memory_space<hbm>>
    tpu.wait_dma2 semaphore(%arg17 : memref<!tpu.dma_semaphore, #tpu.memory_space<semaphore_mem>>) src(%arg9 : memref<6400xf32, #tpu.memory_space<vmem>>) dst(%dma_wait3A_30 : memref<6400xf32, #tpu.memory_space<hbm>>)
    %dma_wait3A_31 = tpu.memref_slice %arg4[%add3A_26] : memref<409600xf32, #tpu.memory_space<hbm>> -> memref<6400xf32, #tpu.memory_space<hbm>>
    %dma_wait3A_32 = tpu.memref_slice %arg4[%add3A_26] : memref<409600xf32, #tpu.memory_space<hbm>> -> memref<6400xf32, #tpu.memory_space<hbm>>
    tpu.wait_dma2 semaphore(%arg18 : memref<!tpu.dma_semaphore, #tpu.memory_space<semaphore_mem>>) src(%arg10 : memref<6400xf32, #tpu.memory_space<vmem>>) dst(%dma_wait3A_32 : memref<6400xf32, #tpu.memory_space<hbm>>)
    return
  }
}

#map = affine_map<(d0, d1) -> (0)>
module attributes {stable_mosaic.version = 14 : i64} {
  func.func @gather_kernel(%arg0: i32, %arg1: i32, %arg2: memref<409600xi32, #tpu.memory_space<hbm>>, %arg3: memref<1000001xf32, #tpu.memory_space<hbm>>, %arg4: memref<409600xf32, #tpu.memory_space<hbm>>, %arg5: memref<6400xi32, #tpu.memory_space<vmem>>, %arg6: memref<6400xi32, #tpu.memory_space<vmem>>, %arg7: memref<6400xi32, #tpu.memory_space<vmem>>, %arg8: memref<6400xi32, #tpu.memory_space<vmem>>, %arg9: memref<6400xf32, #tpu.memory_space<vmem>>, %arg10: memref<6400xf32, #tpu.memory_space<vmem>>, %arg11: memref<6400xf32, #tpu.memory_space<vmem>>, %arg12: memref<6400xf32, #tpu.memory_space<vmem>>, %arg13: memref<!tpu.dma_semaphore, #tpu.memory_space<semaphore_mem>>, %arg14: memref<!tpu.dma_semaphore, #tpu.memory_space<semaphore_mem>>, %arg15: memref<!tpu.dma_semaphore, #tpu.memory_space<semaphore_mem>>, %arg16: memref<!tpu.dma_semaphore, #tpu.memory_space<semaphore_mem>>, %arg17: memref<!tpu.dma_semaphore, #tpu.memory_space<semaphore_mem>>, %arg18: memref<!tpu.dma_semaphore, #tpu.memory_space<semaphore_mem>>, %arg19: memref<!tpu.dma_semaphore, #tpu.memory_space<semaphore_mem>>, %arg20: memref<!tpu.dma_semaphore, #tpu.memory_space<semaphore_mem>>, %arg21: memref<!tpu.dma_semaphore, #tpu.memory_space<semaphore_mem>>, %arg22: memref<!tpu.dma_semaphore, #tpu.memory_space<semaphore_mem>>, %arg23: memref<!tpu.dma_semaphore, #tpu.memory_space<semaphore_mem>>, %arg24: memref<!tpu.dma_semaphore, #tpu.memory_space<semaphore_mem>>) attributes {dimension_semantics = [#tpu.dimension_semantics<core_parallel>, #tpu.dimension_semantics<subcore_parallel>], iteration_bounds = array<i64: 2, 16>, scalar_prefetch = 0 : i64, scratch_operands = 20 : i64, tpu.core_type = #tpu.core_type<sc_vector_subcore>, window_params = [{transform_indices = #map}, {transform_indices = #map}, {transform_indices = #map}]} {
    %mul3A = arith.constant 2 : i32
    %mul3A_0 = arith.muli %arg1, %mul3A : i32
    %add3A = arith.addi %mul3A_0, %arg0 : i32
    %mul3A_1 = arith.constant 12800 : i32
    %mul3A_2 = arith.muli %add3A, %mul3A_1 : i32
    %add3A_3 = arith.constant 0 : i32
    %add3A_4 = arith.addi %mul3A_2, %add3A_3 : i32
    %dma_start3A = tpu.memref_slice %arg2[%add3A_4] : memref<409600xi32, #tpu.memory_space<hbm>> -> memref<6400xi32, #tpu.memory_space<hbm>>
    %dma_start3A_5 = tpu.memref_slice %arg2[%add3A_4] : memref<409600xi32, #tpu.memory_space<hbm>> -> memref<6400xi32, #tpu.memory_space<hbm>>
    tpu.enqueue_dma source(%dma_start3A_5 : memref<6400xi32, #tpu.memory_space<hbm>>) target(%arg5 : memref<6400xi32, #tpu.memory_space<vmem>>) target_semaphore(%arg13 : memref<!tpu.dma_semaphore, #tpu.memory_space<semaphore_mem>>)
    %add3A_6 = arith.constant 6400 : i32
    %add3A_7 = arith.addi %mul3A_2, %add3A_6 : i32
    %dma_start3A_8 = tpu.memref_slice %arg2[%add3A_7] : memref<409600xi32, #tpu.memory_space<hbm>> -> memref<6400xi32, #tpu.memory_space<hbm>>
    %dma_start3A_9 = tpu.memref_slice %arg2[%add3A_7] : memref<409600xi32, #tpu.memory_space<hbm>> -> memref<6400xi32, #tpu.memory_space<hbm>>
    tpu.enqueue_dma source(%dma_start3A_9 : memref<6400xi32, #tpu.memory_space<hbm>>) target(%arg6 : memref<6400xi32, #tpu.memory_space<vmem>>) target_semaphore(%arg14 : memref<!tpu.dma_semaphore, #tpu.memory_space<semaphore_mem>>)
    %dma_wait3A = tpu.memref_slice %arg2[%add3A_4] : memref<409600xi32, #tpu.memory_space<hbm>> -> memref<6400xi32, #tpu.memory_space<hbm>>
    %dma_wait3A_10 = tpu.memref_slice %arg2[%add3A_4] : memref<409600xi32, #tpu.memory_space<hbm>> -> memref<6400xi32, #tpu.memory_space<hbm>>
    tpu.wait_dma2 semaphore(%arg13 : memref<!tpu.dma_semaphore, #tpu.memory_space<semaphore_mem>>) src(%dma_wait3A_10 : memref<6400xi32, #tpu.memory_space<hbm>>) dst(%arg5 : memref<6400xi32, #tpu.memory_space<vmem>>)
    %dma_start3A_11 = arith.constant 0 : i32
    %dma_start3A_12 = tpu.memref_slice %arg3[%dma_start3A_11] : memref<1000001xf32, #tpu.memory_space<hbm>> -> memref<1000001xf32, #tpu.memory_space<hbm>>
    tpu.enqueue_indirect_dma source(%dma_start3A_12 : memref<1000001xf32, #tpu.memory_space<hbm>>) target(%arg9 : memref<6400xf32, #tpu.memory_space<vmem>>) offsets(%arg5 : memref<6400xi32, #tpu.memory_space<vmem>>) semaphore(%arg21 : memref<!tpu.dma_semaphore, #tpu.memory_space<semaphore_mem>>)
    %dma_wait3A_13 = tpu.memref_slice %arg2[%add3A_7] : memref<409600xi32, #tpu.memory_space<hbm>> -> memref<6400xi32, #tpu.memory_space<hbm>>
    %dma_wait3A_14 = tpu.memref_slice %arg2[%add3A_7] : memref<409600xi32, #tpu.memory_space<hbm>> -> memref<6400xi32, #tpu.memory_space<hbm>>
    tpu.wait_dma2 semaphore(%arg14 : memref<!tpu.dma_semaphore, #tpu.memory_space<semaphore_mem>>) src(%dma_wait3A_14 : memref<6400xi32, #tpu.memory_space<hbm>>) dst(%arg6 : memref<6400xi32, #tpu.memory_space<vmem>>)
    %dma_start3A_15 = arith.constant 0 : i32
    %dma_start3A_16 = tpu.memref_slice %arg3[%dma_start3A_15] : memref<1000001xf32, #tpu.memory_space<hbm>> -> memref<1000001xf32, #tpu.memory_space<hbm>>
    tpu.enqueue_indirect_dma source(%dma_start3A_16 : memref<1000001xf32, #tpu.memory_space<hbm>>) target(%arg10 : memref<6400xf32, #tpu.memory_space<vmem>>) offsets(%arg6 : memref<6400xi32, #tpu.memory_space<vmem>>) semaphore(%arg22 : memref<!tpu.dma_semaphore, #tpu.memory_space<semaphore_mem>>)
    %dma_wait3A_17 = arith.constant 0 : i32
    %dma_wait3A_18 = tpu.memref_slice %arg3[%dma_wait3A_17] : memref<1000001xf32, #tpu.memory_space<hbm>> -> memref<1000001xf32, #tpu.memory_space<hbm>>
    tpu.wait_indirect_dma semaphore(%arg21 : memref<!tpu.dma_semaphore, #tpu.memory_space<semaphore_mem>>) src(%dma_wait3A_18 : memref<1000001xf32, #tpu.memory_space<hbm>>) dst(%arg9 : memref<6400xf32, #tpu.memory_space<vmem>>)
    %add3A_19 = arith.constant 0 : i32
    %add3A_20 = arith.addi %mul3A_2, %add3A_19 : i32
    %dma_start3A_21 = tpu.memref_slice %arg4[%add3A_20] : memref<409600xf32, #tpu.memory_space<hbm>> -> memref<6400xf32, #tpu.memory_space<hbm>>
    %dma_start3A_22 = tpu.memref_slice %arg4[%add3A_20] : memref<409600xf32, #tpu.memory_space<hbm>> -> memref<6400xf32, #tpu.memory_space<hbm>>
    tpu.enqueue_dma source(%arg9 : memref<6400xf32, #tpu.memory_space<vmem>>) target(%dma_start3A_22 : memref<6400xf32, #tpu.memory_space<hbm>>) target_semaphore(%arg17 : memref<!tpu.dma_semaphore, #tpu.memory_space<semaphore_mem>>)
    %dma_wait3A_23 = arith.constant 0 : i32
    %dma_wait3A_24 = tpu.memref_slice %arg3[%dma_wait3A_23] : memref<1000001xf32, #tpu.memory_space<hbm>> -> memref<1000001xf32, #tpu.memory_space<hbm>>
    tpu.wait_indirect_dma semaphore(%arg22 : memref<!tpu.dma_semaphore, #tpu.memory_space<semaphore_mem>>) src(%dma_wait3A_24 : memref<1000001xf32, #tpu.memory_space<hbm>>) dst(%arg10 : memref<6400xf32, #tpu.memory_space<vmem>>)
    %add3A_25 = arith.constant 6400 : i32
    %add3A_26 = arith.addi %mul3A_2, %add3A_25 : i32
    %dma_start3A_27 = tpu.memref_slice %arg4[%add3A_26] : memref<409600xf32, #tpu.memory_space<hbm>> -> memref<6400xf32, #tpu.memory_space<hbm>>
    %dma_start3A_28 = tpu.memref_slice %arg4[%add3A_26] : memref<409600xf32, #tpu.memory_space<hbm>> -> memref<6400xf32, #tpu.memory_space<hbm>>
    tpu.enqueue_dma source(%arg10 : memref<6400xf32, #tpu.memory_space<vmem>>) target(%dma_start3A_28 : memref<6400xf32, #tpu.memory_space<hbm>>) target_semaphore(%arg18 : memref<!tpu.dma_semaphore, #tpu.memory_space<semaphore_mem>>)
    %dma_wait3A_29 = tpu.memref_slice %arg4[%add3A_20] : memref<409600xf32, #tpu.memory_space<hbm>> -> memref<6400xf32, #tpu.memory_space<hbm>>
    %dma_wait3A_30 = tpu.memref_slice %arg4[%add3A_20] : memref<409600xf32, #tpu.memory_space<hbm>> -> memref<6400xf32, #tpu.memory_space<hbm>>
    tpu.wait_dma2 semaphore(%arg17 : memref<!tpu.dma_semaphore, #tpu.memory_space<semaphore_mem>>) src(%arg9 : memref<6400xf32, #tpu.memory_space<vmem>>) dst(%dma_wait3A_30 : memref<6400xf32, #tpu.memory_space<hbm>>)
    %dma_wait3A_31 = tpu.memref_slice %arg4[%add3A_26] : memref<409600xf32, #tpu.memory_space<hbm>> -> memref<6400xf32, #tpu.memory_space<hbm>>
    %dma_wait3A_32 = tpu.memref_slice %arg4[%add3A_26] : memref<409600xf32, #tpu.memory_space<hbm>> -> memref<6400xf32, #tpu.memory_space<hbm>>
    tpu.wait_dma2 semaphore(%arg18 : memref<!tpu.dma_semaphore, #tpu.memory_space<semaphore_mem>>) src(%arg10 : memref<6400xf32, #tpu.memory_space<vmem>>) dst(%dma_wait3A_32 : memref<6400xf32, #tpu.memory_space<hbm>>)
    return
  }
}

#map = affine_map<(d0, d1) -> (0)>
module attributes {stable_mosaic.version = 14 : i64} {
  func.func @gather_kernel(%arg0: i32, %arg1: i32, %arg2: memref<1228800xi32, #tpu.memory_space<hbm>>, %arg3: memref<1000001xf32, #tpu.memory_space<hbm>>, %arg4: memref<1228800xf32, #tpu.memory_space<hbm>>, %arg5: memref<6400xi32, #tpu.memory_space<vmem>>, %arg6: memref<6400xi32, #tpu.memory_space<vmem>>, %arg7: memref<6400xi32, #tpu.memory_space<vmem>>, %arg8: memref<6400xi32, #tpu.memory_space<vmem>>, %arg9: memref<6400xf32, #tpu.memory_space<vmem>>, %arg10: memref<6400xf32, #tpu.memory_space<vmem>>, %arg11: memref<6400xf32, #tpu.memory_space<vmem>>, %arg12: memref<6400xf32, #tpu.memory_space<vmem>>, %arg13: memref<!tpu.dma_semaphore, #tpu.memory_space<semaphore_mem>>, %arg14: memref<!tpu.dma_semaphore, #tpu.memory_space<semaphore_mem>>, %arg15: memref<!tpu.dma_semaphore, #tpu.memory_space<semaphore_mem>>, %arg16: memref<!tpu.dma_semaphore, #tpu.memory_space<semaphore_mem>>, %arg17: memref<!tpu.dma_semaphore, #tpu.memory_space<semaphore_mem>>, %arg18: memref<!tpu.dma_semaphore, #tpu.memory_space<semaphore_mem>>, %arg19: memref<!tpu.dma_semaphore, #tpu.memory_space<semaphore_mem>>, %arg20: memref<!tpu.dma_semaphore, #tpu.memory_space<semaphore_mem>>, %arg21: memref<!tpu.dma_semaphore, #tpu.memory_space<semaphore_mem>>, %arg22: memref<!tpu.dma_semaphore, #tpu.memory_space<semaphore_mem>>, %arg23: memref<!tpu.dma_semaphore, #tpu.memory_space<semaphore_mem>>, %arg24: memref<!tpu.dma_semaphore, #tpu.memory_space<semaphore_mem>>) attributes {dimension_semantics = [#tpu.dimension_semantics<core_parallel>, #tpu.dimension_semantics<subcore_parallel>], iteration_bounds = array<i64: 2, 16>, scalar_prefetch = 0 : i64, scratch_operands = 20 : i64, tpu.core_type = #tpu.core_type<sc_vector_subcore>, window_params = [{transform_indices = #map}, {transform_indices = #map}, {transform_indices = #map}]} {
    %mul3A = arith.constant 2 : i32
    %mul3A_0 = arith.muli %arg1, %mul3A : i32
    %add3A = arith.addi %mul3A_0, %arg0 : i32
    %mul3A_1 = arith.constant 38400 : i32
    %mul3A_2 = arith.muli %add3A, %mul3A_1 : i32
    %add3A_3 = arith.constant 0 : i32
    %add3A_4 = arith.addi %mul3A_2, %add3A_3 : i32
    %dma_start3A = tpu.memref_slice %arg2[%add3A_4] : memref<1228800xi32, #tpu.memory_space<hbm>> -> memref<6400xi32, #tpu.memory_space<hbm>>
    %dma_start3A_5 = tpu.memref_slice %arg2[%add3A_4] : memref<1228800xi32, #tpu.memory_space<hbm>> -> memref<6400xi32, #tpu.memory_space<hbm>>
    tpu.enqueue_dma source(%dma_start3A_5 : memref<6400xi32, #tpu.memory_space<hbm>>) target(%arg5 : memref<6400xi32, #tpu.memory_space<vmem>>) target_semaphore(%arg13 : memref<!tpu.dma_semaphore, #tpu.memory_space<semaphore_mem>>)
    %add3A_6 = arith.constant 6400 : i32
    %add3A_7 = arith.addi %mul3A_2, %add3A_6 : i32
    %dma_start3A_8 = tpu.memref_slice %arg2[%add3A_7] : memref<1228800xi32, #tpu.memory_space<hbm>> -> memref<6400xi32, #tpu.memory_space<hbm>>
    %dma_start3A_9 = tpu.memref_slice %arg2[%add3A_7] : memref<1228800xi32, #tpu.memory_space<hbm>> -> memref<6400xi32, #tpu.memory_space<hbm>>
    tpu.enqueue_dma source(%dma_start3A_9 : memref<6400xi32, #tpu.memory_space<hbm>>) target(%arg6 : memref<6400xi32, #tpu.memory_space<vmem>>) target_semaphore(%arg14 : memref<!tpu.dma_semaphore, #tpu.memory_space<semaphore_mem>>)
    %add3A_10 = arith.constant 12800 : i32
    %add3A_11 = arith.addi %mul3A_2, %add3A_10 : i32
    %dma_start3A_12 = tpu.memref_slice %arg2[%add3A_11] : memref<1228800xi32, #tpu.memory_space<hbm>> -> memref<6400xi32, #tpu.memory_space<hbm>>
    %dma_start3A_13 = tpu.memref_slice %arg2[%add3A_11] : memref<1228800xi32, #tpu.memory_space<hbm>> -> memref<6400xi32, #tpu.memory_space<hbm>>
    tpu.enqueue_dma source(%dma_start3A_13 : memref<6400xi32, #tpu.memory_space<hbm>>) target(%arg7 : memref<6400xi32, #tpu.memory_space<vmem>>) target_semaphore(%arg15 : memref<!tpu.dma_semaphore, #tpu.memory_space<semaphore_mem>>)
    %add3A_14 = arith.constant 19200 : i32
    %add3A_15 = arith.addi %mul3A_2, %add3A_14 : i32
    %dma_start3A_16 = tpu.memref_slice %arg2[%add3A_15] : memref<1228800xi32, #tpu.memory_space<hbm>> -> memref<6400xi32, #tpu.memory_space<hbm>>
    %dma_start3A_17 = tpu.memref_slice %arg2[%add3A_15] : memref<1228800xi32, #tpu.memory_space<hbm>> -> memref<6400xi32, #tpu.memory_space<hbm>>
    tpu.enqueue_dma source(%dma_start3A_17 : memref<6400xi32, #tpu.memory_space<hbm>>) target(%arg8 : memref<6400xi32, #tpu.memory_space<vmem>>) target_semaphore(%arg16 : memref<!tpu.dma_semaphore, #tpu.memory_space<semaphore_mem>>)
    %dma_wait3A = tpu.memref_slice %arg2[%add3A_4] : memref<1228800xi32, #tpu.memory_space<hbm>> -> memref<6400xi32, #tpu.memory_space<hbm>>
    %dma_wait3A_18 = tpu.memref_slice %arg2[%add3A_4] : memref<1228800xi32, #tpu.memory_space<hbm>> -> memref<6400xi32, #tpu.memory_space<hbm>>
    tpu.wait_dma2 semaphore(%arg13 : memref<!tpu.dma_semaphore, #tpu.memory_space<semaphore_mem>>) src(%dma_wait3A_18 : memref<6400xi32, #tpu.memory_space<hbm>>) dst(%arg5 : memref<6400xi32, #tpu.memory_space<vmem>>)
    %dma_start3A_19 = arith.constant 0 : i32
    %dma_start3A_20 = tpu.memref_slice %arg3[%dma_start3A_19] : memref<1000001xf32, #tpu.memory_space<hbm>> -> memref<1000001xf32, #tpu.memory_space<hbm>>
    tpu.enqueue_indirect_dma source(%dma_start3A_20 : memref<1000001xf32, #tpu.memory_space<hbm>>) target(%arg9 : memref<6400xf32, #tpu.memory_space<vmem>>) offsets(%arg5 : memref<6400xi32, #tpu.memory_space<vmem>>) semaphore(%arg21 : memref<!tpu.dma_semaphore, #tpu.memory_space<semaphore_mem>>)
    %dma_wait3A_21 = tpu.memref_slice %arg2[%add3A_7] : memref<1228800xi32, #tpu.memory_space<hbm>> -> memref<6400xi32, #tpu.memory_space<hbm>>
    %dma_wait3A_22 = tpu.memref_slice %arg2[%add3A_7] : memref<1228800xi32, #tpu.memory_space<hbm>> -> memref<6400xi32, #tpu.memory_space<hbm>>
    tpu.wait_dma2 semaphore(%arg14 : memref<!tpu.dma_semaphore, #tpu.memory_space<semaphore_mem>>) src(%dma_wait3A_22 : memref<6400xi32, #tpu.memory_space<hbm>>) dst(%arg6 : memref<6400xi32, #tpu.memory_space<vmem>>)
    %dma_start3A_23 = arith.constant 0 : i32
    %dma_start3A_24 = tpu.memref_slice %arg3[%dma_start3A_23] : memref<1000001xf32, #tpu.memory_space<hbm>> -> memref<1000001xf32, #tpu.memory_space<hbm>>
    tpu.enqueue_indirect_dma source(%dma_start3A_24 : memref<1000001xf32, #tpu.memory_space<hbm>>) target(%arg10 : memref<6400xf32, #tpu.memory_space<vmem>>) offsets(%arg6 : memref<6400xi32, #tpu.memory_space<vmem>>) semaphore(%arg22 : memref<!tpu.dma_semaphore, #tpu.memory_space<semaphore_mem>>)
    %dma_wait3A_25 = tpu.memref_slice %arg2[%add3A_11] : memref<1228800xi32, #tpu.memory_space<hbm>> -> memref<6400xi32, #tpu.memory_space<hbm>>
    %dma_wait3A_26 = tpu.memref_slice %arg2[%add3A_11] : memref<1228800xi32, #tpu.memory_space<hbm>> -> memref<6400xi32, #tpu.memory_space<hbm>>
    tpu.wait_dma2 semaphore(%arg15 : memref<!tpu.dma_semaphore, #tpu.memory_space<semaphore_mem>>) src(%dma_wait3A_26 : memref<6400xi32, #tpu.memory_space<hbm>>) dst(%arg7 : memref<6400xi32, #tpu.memory_space<vmem>>)
    %dma_start3A_27 = arith.constant 0 : i32
    %dma_start3A_28 = tpu.memref_slice %arg3[%dma_start3A_27] : memref<1000001xf32, #tpu.memory_space<hbm>> -> memref<1000001xf32, #tpu.memory_space<hbm>>
    tpu.enqueue_indirect_dma source(%dma_start3A_28 : memref<1000001xf32, #tpu.memory_space<hbm>>) target(%arg11 : memref<6400xf32, #tpu.memory_space<vmem>>) offsets(%arg7 : memref<6400xi32, #tpu.memory_space<vmem>>) semaphore(%arg23 : memref<!tpu.dma_semaphore, #tpu.memory_space<semaphore_mem>>)
    %dma_wait3A_29 = arith.constant 0 : i32
    %dma_wait3A_30 = tpu.memref_slice %arg3[%dma_wait3A_29] : memref<1000001xf32, #tpu.memory_space<hbm>> -> memref<1000001xf32, #tpu.memory_space<hbm>>
    tpu.wait_indirect_dma semaphore(%arg21 : memref<!tpu.dma_semaphore, #tpu.memory_space<semaphore_mem>>) src(%dma_wait3A_30 : memref<1000001xf32, #tpu.memory_space<hbm>>) dst(%arg9 : memref<6400xf32, #tpu.memory_space<vmem>>)
    %add3A_31 = arith.constant 0 : i32
    %add3A_32 = arith.addi %mul3A_2, %add3A_31 : i32
    %dma_start3A_33 = tpu.memref_slice %arg4[%add3A_32] : memref<1228800xf32, #tpu.memory_space<hbm>> -> memref<6400xf32, #tpu.memory_space<hbm>>
    %dma_start3A_34 = tpu.memref_slice %arg4[%add3A_32] : memref<1228800xf32, #tpu.memory_space<hbm>> -> memref<6400xf32, #tpu.memory_space<hbm>>
    tpu.enqueue_dma source(%arg9 : memref<6400xf32, #tpu.memory_space<vmem>>) target(%dma_start3A_34 : memref<6400xf32, #tpu.memory_space<hbm>>) target_semaphore(%arg17 : memref<!tpu.dma_semaphore, #tpu.memory_space<semaphore_mem>>)
    %add3A_35 = arith.constant 25600 : i32
    %add3A_36 = arith.addi %mul3A_2, %add3A_35 : i32
    %dma_start3A_37 = tpu.memref_slice %arg2[%add3A_36] : memref<1228800xi32, #tpu.memory_space<hbm>> -> memref<6400xi32, #tpu.memory_space<hbm>>
    %dma_start3A_38 = tpu.memref_slice %arg2[%add3A_36] : memref<1228800xi32, #tpu.memory_space<hbm>> -> memref<6400xi32, #tpu.memory_space<hbm>>
    tpu.enqueue_dma source(%dma_start3A_38 : memref<6400xi32, #tpu.memory_space<hbm>>) target(%arg5 : memref<6400xi32, #tpu.memory_space<vmem>>) target_semaphore(%arg13 : memref<!tpu.dma_semaphore, #tpu.memory_space<semaphore_mem>>)
    %dma_wait3A_39 = tpu.memref_slice %arg2[%add3A_15] : memref<1228800xi32, #tpu.memory_space<hbm>> -> memref<6400xi32, #tpu.memory_space<hbm>>
    %dma_wait3A_40 = tpu.memref_slice %arg2[%add3A_15] : memref<1228800xi32, #tpu.memory_space<hbm>> -> memref<6400xi32, #tpu.memory_space<hbm>>
    tpu.wait_dma2 semaphore(%arg16 : memref<!tpu.dma_semaphore, #tpu.memory_space<semaphore_mem>>) src(%dma_wait3A_40 : memref<6400xi32, #tpu.memory_space<hbm>>) dst(%arg8 : memref<6400xi32, #tpu.memory_space<vmem>>)
    %dma_start3A_41 = arith.constant 0 : i32
    %dma_start3A_42 = tpu.memref_slice %arg3[%dma_start3A_41] : memref<1000001xf32, #tpu.memory_space<hbm>> -> memref<1000001xf32, #tpu.memory_space<hbm>>
    tpu.enqueue_indirect_dma source(%dma_start3A_42 : memref<1000001xf32, #tpu.memory_space<hbm>>) target(%arg12 : memref<6400xf32, #tpu.memory_space<vmem>>) offsets(%arg8 : memref<6400xi32, #tpu.memory_space<vmem>>) semaphore(%arg24 : memref<!tpu.dma_semaphore, #tpu.memory_space<semaphore_mem>>)
    %dma_wait3A_43 = arith.constant 0 : i32
    %dma_wait3A_44 = tpu.memref_slice %arg3[%dma_wait3A_43] : memref<1000001xf32, #tpu.memory_space<hbm>> -> memref<1000001xf32, #tpu.memory_space<hbm>>
    tpu.wait_indirect_dma semaphore(%arg22 : memref<!tpu.dma_semaphore, #tpu.memory_space<semaphore_mem>>) src(%dma_wait3A_44 : memref<1000001xf32, #tpu.memory_space<hbm>>) dst(%arg10 : memref<6400xf32, #tpu.memory_space<vmem>>)
    %add3A_45 = arith.constant 6400 : i32
    %add3A_46 = arith.addi %mul3A_2, %add3A_45 : i32
    %dma_start3A_47 = tpu.memref_slice %arg4[%add3A_46] : memref<1228800xf32, #tpu.memory_space<hbm>> -> memref<6400xf32, #tpu.memory_space<hbm>>
    %dma_start3A_48 = tpu.memref_slice %arg4[%add3A_46] : memref<1228800xf32, #tpu.memory_space<hbm>> -> memref<6400xf32, #tpu.memory_space<hbm>>
    tpu.enqueue_dma source(%arg10 : memref<6400xf32, #tpu.memory_space<vmem>>) target(%dma_start3A_48 : memref<6400xf32, #tpu.memory_space<hbm>>) target_semaphore(%arg18 : memref<!tpu.dma_semaphore, #tpu.memory_space<semaphore_mem>>)
    %add3A_49 = arith.constant 32000 : i32
    %add3A_50 = arith.addi %mul3A_2, %add3A_49 : i32
    %dma_start3A_51 = tpu.memref_slice %arg2[%add3A_50] : memref<1228800xi32, #tpu.memory_space<hbm>> -> memref<6400xi32, #tpu.memory_space<hbm>>
    %dma_start3A_52 = tpu.memref_slice %arg2[%add3A_50] : memref<1228800xi32, #tpu.memory_space<hbm>> -> memref<6400xi32, #tpu.memory_space<hbm>>
    tpu.enqueue_dma source(%dma_start3A_52 : memref<6400xi32, #tpu.memory_space<hbm>>) target(%arg6 : memref<6400xi32, #tpu.memory_space<vmem>>) target_semaphore(%arg14 : memref<!tpu.dma_semaphore, #tpu.memory_space<semaphore_mem>>)
    %dma_wait3A_53 = tpu.memref_slice %arg2[%add3A_36] : memref<1228800xi32, #tpu.memory_space<hbm>> -> memref<6400xi32, #tpu.memory_space<hbm>>
    %dma_wait3A_54 = tpu.memref_slice %arg2[%add3A_36] : memref<1228800xi32, #tpu.memory_space<hbm>> -> memref<6400xi32, #tpu.memory_space<hbm>>
    tpu.wait_dma2 semaphore(%arg13 : memref<!tpu.dma_semaphore, #tpu.memory_space<semaphore_mem>>) src(%dma_wait3A_54 : memref<6400xi32, #tpu.memory_space<hbm>>) dst(%arg5 : memref<6400xi32, #tpu.memory_space<vmem>>)
    %dma_wait3A_55 = tpu.memref_slice %arg4[%add3A_32] : memref<1228800xf32, #tpu.memory_space<hbm>> -> memref<6400xf32, #tpu.memory_space<hbm>>
    %dma_wait3A_56 = tpu.memref_slice %arg4[%add3A_32] : memref<1228800xf32, #tpu.memory_space<hbm>> -> memref<6400xf32, #tpu.memory_space<hbm>>
    tpu.wait_dma2 semaphore(%arg17 : memref<!tpu.dma_semaphore, #tpu.memory_space<semaphore_mem>>) src(%arg9 : memref<6400xf32, #tpu.memory_space<vmem>>) dst(%dma_wait3A_56 : memref<6400xf32, #tpu.memory_space<hbm>>)
    %dma_start3A_57 = arith.constant 0 : i32
    %dma_start3A_58 = tpu.memref_slice %arg3[%dma_start3A_57] : memref<1000001xf32, #tpu.memory_space<hbm>> -> memref<1000001xf32, #tpu.memory_space<hbm>>
    tpu.enqueue_indirect_dma source(%dma_start3A_58 : memref<1000001xf32, #tpu.memory_space<hbm>>) target(%arg9 : memref<6400xf32, #tpu.memory_space<vmem>>) offsets(%arg5 : memref<6400xi32, #tpu.memory_space<vmem>>) semaphore(%arg21 : memref<!tpu.dma_semaphore, #tpu.memory_space<semaphore_mem>>)
    %dma_wait3A_59 = arith.constant 0 : i32
    %dma_wait3A_60 = tpu.memref_slice %arg3[%dma_wait3A_59] : memref<1000001xf32, #tpu.memory_space<hbm>> -> memref<1000001xf32, #tpu.memory_space<hbm>>
    tpu.wait_indirect_dma semaphore(%arg23 : memref<!tpu.dma_semaphore, #tpu.memory_space<semaphore_mem>>) src(%dma_wait3A_60 : memref<1000001xf32, #tpu.memory_space<hbm>>) dst(%arg11 : memref<6400xf32, #tpu.memory_space<vmem>>)
    %add3A_61 = arith.constant 12800 : i32
    %add3A_62 = arith.addi %mul3A_2, %add3A_61 : i32
    %dma_start3A_63 = tpu.memref_slice %arg4[%add3A_62] : memref<1228800xf32, #tpu.memory_space<hbm>> -> memref<6400xf32, #tpu.memory_space<hbm>>
    %dma_start3A_64 = tpu.memref_slice %arg4[%add3A_62] : memref<1228800xf32, #tpu.memory_space<hbm>> -> memref<6400xf32, #tpu.memory_space<hbm>>
    tpu.enqueue_dma source(%arg11 : memref<6400xf32, #tpu.memory_space<vmem>>) target(%dma_start3A_64 : memref<6400xf32, #tpu.memory_space<hbm>>) target_semaphore(%arg19 : memref<!tpu.dma_semaphore, #tpu.memory_space<semaphore_mem>>)
    %dma_wait3A_65 = tpu.memref_slice %arg2[%add3A_50] : memref<1228800xi32, #tpu.memory_space<hbm>> -> memref<6400xi32, #tpu.memory_space<hbm>>
    %dma_wait3A_66 = tpu.memref_slice %arg2[%add3A_50] : memref<1228800xi32, #tpu.memory_space<hbm>> -> memref<6400xi32, #tpu.memory_space<hbm>>
    tpu.wait_dma2 semaphore(%arg14 : memref<!tpu.dma_semaphore, #tpu.memory_space<semaphore_mem>>) src(%dma_wait3A_66 : memref<6400xi32, #tpu.memory_space<hbm>>) dst(%arg6 : memref<6400xi32, #tpu.memory_space<vmem>>)
    %dma_wait3A_67 = tpu.memref_slice %arg4[%add3A_46] : memref<1228800xf32, #tpu.memory_space<hbm>> -> memref<6400xf32, #tpu.memory_space<hbm>>
    %dma_wait3A_68 = tpu.memref_slice %arg4[%add3A_46] : memref<1228800xf32, #tpu.memory_space<hbm>> -> memref<6400xf32, #tpu.memory_space<hbm>>
    tpu.wait_dma2 semaphore(%arg18 : memref<!tpu.dma_semaphore, #tpu.memory_space<semaphore_mem>>) src(%arg10 : memref<6400xf32, #tpu.memory_space<vmem>>) dst(%dma_wait3A_68 : memref<6400xf32, #tpu.memory_space<hbm>>)
    %dma_start3A_69 = arith.constant 0 : i32
    %dma_start3A_70 = tpu.memref_slice %arg3[%dma_start3A_69] : memref<1000001xf32, #tpu.memory_space<hbm>> -> memref<1000001xf32, #tpu.memory_space<hbm>>
    tpu.enqueue_indirect_dma source(%dma_start3A_70 : memref<1000001xf32, #tpu.memory_space<hbm>>) target(%arg10 : memref<6400xf32, #tpu.memory_space<vmem>>) offsets(%arg6 : memref<6400xi32, #tpu.memory_space<vmem>>) semaphore(%arg22 : memref<!tpu.dma_semaphore, #tpu.memory_space<semaphore_mem>>)
    %dma_wait3A_71 = arith.constant 0 : i32
    %dma_wait3A_72 = tpu.memref_slice %arg3[%dma_wait3A_71] : memref<1000001xf32, #tpu.memory_space<hbm>> -> memref<1000001xf32, #tpu.memory_space<hbm>>
    tpu.wait_indirect_dma semaphore(%arg24 : memref<!tpu.dma_semaphore, #tpu.memory_space<semaphore_mem>>) src(%dma_wait3A_72 : memref<1000001xf32, #tpu.memory_space<hbm>>) dst(%arg12 : memref<6400xf32, #tpu.memory_space<vmem>>)
    %add3A_73 = arith.constant 19200 : i32
    %add3A_74 = arith.addi %mul3A_2, %add3A_73 : i32
    %dma_start3A_75 = tpu.memref_slice %arg4[%add3A_74] : memref<1228800xf32, #tpu.memory_space<hbm>> -> memref<6400xf32, #tpu.memory_space<hbm>>
    %dma_start3A_76 = tpu.memref_slice %arg4[%add3A_74] : memref<1228800xf32, #tpu.memory_space<hbm>> -> memref<6400xf32, #tpu.memory_space<hbm>>
    tpu.enqueue_dma source(%arg12 : memref<6400xf32, #tpu.memory_space<vmem>>) target(%dma_start3A_76 : memref<6400xf32, #tpu.memory_space<hbm>>) target_semaphore(%arg20 : memref<!tpu.dma_semaphore, #tpu.memory_space<semaphore_mem>>)
    %dma_wait3A_77 = arith.constant 0 : i32
    %dma_wait3A_78 = tpu.memref_slice %arg3[%dma_wait3A_77] : memref<1000001xf32, #tpu.memory_space<hbm>> -> memref<1000001xf32, #tpu.memory_space<hbm>>
    tpu.wait_indirect_dma semaphore(%arg21 : memref<!tpu.dma_semaphore, #tpu.memory_space<semaphore_mem>>) src(%dma_wait3A_78 : memref<1000001xf32, #tpu.memory_space<hbm>>) dst(%arg9 : memref<6400xf32, #tpu.memory_space<vmem>>)
    %add3A_79 = arith.constant 25600 : i32
    %add3A_80 = arith.addi %mul3A_2, %add3A_79 : i32
    %dma_start3A_81 = tpu.memref_slice %arg4[%add3A_80] : memref<1228800xf32, #tpu.memory_space<hbm>> -> memref<6400xf32, #tpu.memory_space<hbm>>
    %dma_start3A_82 = tpu.memref_slice %arg4[%add3A_80] : memref<1228800xf32, #tpu.memory_space<hbm>> -> memref<6400xf32, #tpu.memory_space<hbm>>
    tpu.enqueue_dma source(%arg9 : memref<6400xf32, #tpu.memory_space<vmem>>) target(%dma_start3A_82 : memref<6400xf32, #tpu.memory_space<hbm>>) target_semaphore(%arg17 : memref<!tpu.dma_semaphore, #tpu.memory_space<semaphore_mem>>)
    %dma_wait3A_83 = arith.constant 0 : i32
    %dma_wait3A_84 = tpu.memref_slice %arg3[%dma_wait3A_83] : memref<1000001xf32, #tpu.memory_space<hbm>> -> memref<1000001xf32, #tpu.memory_space<hbm>>
    tpu.wait_indirect_dma semaphore(%arg22 : memref<!tpu.dma_semaphore, #tpu.memory_space<semaphore_mem>>) src(%dma_wait3A_84 : memref<1000001xf32, #tpu.memory_space<hbm>>) dst(%arg10 : memref<6400xf32, #tpu.memory_space<vmem>>)
    %add3A_85 = arith.constant 32000 : i32
    %add3A_86 = arith.addi %mul3A_2, %add3A_85 : i32
    %dma_start3A_87 = tpu.memref_slice %arg4[%add3A_86] : memref<1228800xf32, #tpu.memory_space<hbm>> -> memref<6400xf32, #tpu.memory_space<hbm>>
    %dma_start3A_88 = tpu.memref_slice %arg4[%add3A_86] : memref<1228800xf32, #tpu.memory_space<hbm>> -> memref<6400xf32, #tpu.memory_space<hbm>>
    tpu.enqueue_dma source(%arg10 : memref<6400xf32, #tpu.memory_space<vmem>>) target(%dma_start3A_88 : memref<6400xf32, #tpu.memory_space<hbm>>) target_semaphore(%arg18 : memref<!tpu.dma_semaphore, #tpu.memory_space<semaphore_mem>>)
    %dma_wait3A_89 = tpu.memref_slice %arg4[%add3A_62] : memref<1228800xf32, #tpu.memory_space<hbm>> -> memref<6400xf32, #tpu.memory_space<hbm>>
    %dma_wait3A_90 = tpu.memref_slice %arg4[%add3A_62] : memref<1228800xf32, #tpu.memory_space<hbm>> -> memref<6400xf32, #tpu.memory_space<hbm>>
    tpu.wait_dma2 semaphore(%arg19 : memref<!tpu.dma_semaphore, #tpu.memory_space<semaphore_mem>>) src(%arg11 : memref<6400xf32, #tpu.memory_space<vmem>>) dst(%dma_wait3A_90 : memref<6400xf32, #tpu.memory_space<hbm>>)
    %dma_wait3A_91 = tpu.memref_slice %arg4[%add3A_74] : memref<1228800xf32, #tpu.memory_space<hbm>> -> memref<6400xf32, #tpu.memory_space<hbm>>
    %dma_wait3A_92 = tpu.memref_slice %arg4[%add3A_74] : memref<1228800xf32, #tpu.memory_space<hbm>> -> memref<6400xf32, #tpu.memory_space<hbm>>
    tpu.wait_dma2 semaphore(%arg20 : memref<!tpu.dma_semaphore, #tpu.memory_space<semaphore_mem>>) src(%arg12 : memref<6400xf32, #tpu.memory_space<vmem>>) dst(%dma_wait3A_92 : memref<6400xf32, #tpu.memory_space<hbm>>)
    %dma_wait3A_93 = tpu.memref_slice %arg4[%add3A_80] : memref<1228800xf32, #tpu.memory_space<hbm>> -> memref<6400xf32, #tpu.memory_space<hbm>>
    %dma_wait3A_94 = tpu.memref_slice %arg4[%add3A_80] : memref<1228800xf32, #tpu.memory_space<hbm>> -> memref<6400xf32, #tpu.memory_space<hbm>>
    tpu.wait_dma2 semaphore(%arg17 : memref<!tpu.dma_semaphore, #tpu.memory_space<semaphore_mem>>) src(%arg9 : memref<6400xf32, #tpu.memory_space<vmem>>) dst(%dma_wait3A_94 : memref<6400xf32, #tpu.memory_space<hbm>>)
    %dma_wait3A_95 = tpu.memref_slice %arg4[%add3A_86] : memref<1228800xf32, #tpu.memory_space<hbm>> -> memref<6400xf32, #tpu.memory_space<hbm>>
    %dma_wait3A_96 = tpu.memref_slice %arg4[%add3A_86] : memref<1228800xf32, #tpu.memory_space<hbm>> -> memref<6400xf32, #tpu.memory_space<hbm>>
    tpu.wait_dma2 semaphore(%arg18 : memref<!tpu.dma_semaphore, #tpu.memory_space<semaphore_mem>>) src(%arg10 : memref<6400xf32, #tpu.memory_space<vmem>>) dst(%dma_wait3A_96 : memref<6400xf32, #tpu.memory_space<hbm>>)
    return
  }
}

module attributes {stable_mosaic.version = 14 : i64} {
  func.func @_tc_body0(%arg0: i32, %arg1: memref<1024x200xf32, #tpu.memory_space<vmem>>, %arg2: memref<1024x1xi32, #tpu.memory_space<vmem>>, %arg3: memref<1024x200xf32, #tpu.memory_space<vmem>>) attributes {dimension_semantics = [#tpu.dimension_semantics<arbitrary>], iteration_bounds = array<i64: 2>, scalar_prefetch = 0 : i64, scratch_operands = 0 : i64, tpu.core_type = #tpu.core_type<tc>, window_params = [{transform_indices = @transform_0, window_bounds = array<i64: 1024, 200>}, {transform_indices = @transform_1, window_bounds = array<i64: 1024, 1>}, {transform_indices = @transform_2, window_bounds = array<i64: 1024, 200>}]} {
    %get3A = arith.constant 0 : index
    %get3A_0 = arith.constant 0 : index
    %get3A_1 = vector.load %arg1[%get3A, %get3A_0] : memref<1024x200xf32, #tpu.memory_space<vmem>>, vector<1024x200xf32>
    %get3A_2 = arith.constant 0 : index
    %get3A_3 = arith.constant 0 : index
    %get3A_4 = vector.load %arg2[%get3A_2, %get3A_3] : memref<1024x1xi32, #tpu.memory_space<vmem>>, vector<1024x1xi32>
    %iota3A = tpu.iota {dimensions = array<i32: 1>} : vector<1024x200xi32>
    %lt3A = vector.broadcast %get3A_4 : vector<1024x1xi32> to vector<1024x200xi32>
    %lt3A_5 = arith.cmpi slt, %iota3A, %lt3A : vector<1024x200xi32>
    %jit3A = arith.constant 0xFF800000 : f32
    %broadcast_in_dim3A = vector.broadcast %jit3A : f32 to vector<1024x200xf32>
    %select_n3A = arith.select %lt3A_5, %get3A_1, %broadcast_in_dim3A : vector<1024x200xi1>, vector<1024x200xf32>
    %reduce_max3A = arith.constant dense<0xFF800000> : vector<1024xf32>
    %reduce_max3A_6 = vector.multi_reduction <maximumf>, %select_n3A, %reduce_max3A [1] : vector<1024x200xf32> to vector<1024xf32>
    %broadcast_in_dim3A_7 = vector.shape_cast %reduce_max3A_6 : vector<1024xf32> to vector<1024x1xf32>
    %sub3A = vector.broadcast %broadcast_in_dim3A_7 : vector<1024x1xf32> to vector<1024x200xf32>
    %sub3A_8 = arith.subf %get3A_1, %sub3A : vector<1024x200xf32>
    %exp3A = math.exp %sub3A_8 : vector<1024x200xf32>
    %jit3A_9 = arith.constant 0.000000e+00 : f32
    %broadcast_in_dim3A_10 = vector.broadcast %jit3A_9 : f32 to vector<1024x200xf32>
    %select_n3A_11 = arith.select %lt3A_5, %exp3A, %broadcast_in_dim3A_10 : vector<1024x200xi1>, vector<1024x200xf32>
    %reduce_sum3A = arith.constant dense<0.000000e+00> : vector<1024xf32>
    %reduce_sum3A_12 = vector.multi_reduction <add>, %select_n3A_11, %reduce_sum3A [1] : vector<1024x200xf32> to vector<1024xf32>
    %broadcast_in_dim3A_13 = vector.shape_cast %reduce_sum3A_12 : vector<1024xf32> to vector<1024x1xf32>
    %log3A = math.log %broadcast_in_dim3A_13 : vector<1024x1xf32>
    %add3A = arith.addf %log3A, %broadcast_in_dim3A_7 : vector<1024x1xf32>
    %sub3A_14 = vector.broadcast %add3A : vector<1024x1xf32> to vector<1024x200xf32>
    %sub3A_15 = arith.subf %get3A_1, %sub3A_14 : vector<1024x200xf32>
    %jit3A_16 = arith.constant 0xFF800000 : f32
    %broadcast_in_dim3A_17 = vector.broadcast %jit3A_16 : f32 to vector<1024x200xf32>
    %select_n3A_18 = arith.select %lt3A_5, %sub3A_15, %broadcast_in_dim3A_17 : vector<1024x200xi1>, vector<1024x200xf32>
    %swap3A = arith.constant 0 : index
    %swap3A_19 = arith.constant 0 : index
    %swap3A_20 = vector.load %arg3[%swap3A, %swap3A_19] : memref<1024x200xf32, #tpu.memory_space<vmem>>, vector<1024x200xf32>
    tpu.vector_store %arg3[%swap3A, %swap3A_19], %select_n3A_18 {strides = array<i32>} : memref<1024x200xf32, #tpu.memory_space<vmem>>, vector<1024x200xf32>,
    return
  }
  func.func @transform_0(%arg0: i32) -> (i32, i32) {
    %c0_i32 = arith.constant 0 : i32
    %c0_i32_0 = arith.constant 0 : i32
    return %arg0, %c0_i32 : i32, i32
  }
  func.func @transform_1(%arg0: i32) -> (i32, i32) {
    %c0_i32 = arith.constant 0 : i32
    %c0_i32_0 = arith.constant 0 : i32
    return %arg0, %c0_i32 : i32, i32
  }
  func.func @transform_2(%arg0: i32) -> (i32, i32) {
    %c0_i32 = arith.constant 0 : i32
    %c0_i32_0 = arith.constant 0 : i32
    return %arg0, %c0_i32 : i32, i32
  }
}

module attributes {stable_mosaic.version = 14 : i64} {
  func.func @_tc_body(%arg0: i32, %arg1: memref<1024x200xf32, #tpu.memory_space<vmem>>, %arg2: memref<1024x1xi32, #tpu.memory_space<vmem>>, %arg3: memref<16384x200xf32, #tpu.memory_space<any>>, %arg4: memref<1024x200xf32, #tpu.memory_space<vmem>>) attributes {dimension_semantics = [#tpu.dimension_semantics<arbitrary>], iteration_bounds = array<i64: 6>, scalar_prefetch = 0 : i64, scratch_operands = 0 : i64, tpu.core_type = #tpu.core_type<tc>, window_params = [{transform_indices = @transform_0, window_bounds = array<i64: 1024, 200>}, {transform_indices = @transform_1, window_bounds = array<i64: 1024, 1>}, {}, {transform_indices = @transform_3, window_bounds = array<i64: 1024, 200>}]} {
    %get3A = arith.constant 0 : index
    %get3A_0 = arith.constant 0 : index
    %get3A_1 = vector.load %arg1[%get3A, %get3A_0] : memref<1024x200xf32, #tpu.memory_space<vmem>>, vector<1024x200xf32>
    %get3A_2 = arith.constant 0 : index
    %get3A_3 = arith.constant 0 : index
    %get3A_4 = vector.load %arg2[%get3A_2, %get3A_3] : memref<1024x1xi32, #tpu.memory_space<vmem>>, vector<1024x1xi32>
    %iota3A = tpu.iota {dimensions = array<i32: 1>} : vector<1024x200xi32>
    %lt3A = vector.broadcast %get3A_4 : vector<1024x1xi32> to vector<1024x200xi32>
    %lt3A_5 = arith.cmpi slt, %iota3A, %lt3A : vector<1024x200xi32>
    %jit3A = arith.constant 0xFF800000 : f32
    %broadcast_in_dim3A = vector.broadcast %jit3A : f32 to vector<1024x200xf32>
    %select_n3A = arith.select %lt3A_5, %get3A_1, %broadcast_in_dim3A : vector<1024x200xi1>, vector<1024x200xf32>
    %reduce_max3A = arith.constant dense<0xFF800000> : vector<1024xf32>
    %reduce_max3A_6 = vector.multi_reduction <maximumf>, %select_n3A, %reduce_max3A [1] : vector<1024x200xf32> to vector<1024xf32>
    %broadcast_in_dim3A_7 = vector.shape_cast %reduce_max3A_6 : vector<1024xf32> to vector<1024x1xf32>
    %sub3A = vector.broadcast %broadcast_in_dim3A_7 : vector<1024x1xf32> to vector<1024x200xf32>
    %sub3A_8 = arith.subf %get3A_1, %sub3A : vector<1024x200xf32>
    %exp3A = math.exp %sub3A_8 : vector<1024x200xf32>
    %jit3A_9 = arith.constant 0.000000e+00 : f32
    %broadcast_in_dim3A_10 = vector.broadcast %jit3A_9 : f32 to vector<1024x200xf32>
    %select_n3A_11 = arith.select %lt3A_5, %exp3A, %broadcast_in_dim3A_10 : vector<1024x200xi1>, vector<1024x200xf32>
    %reduce_sum3A = arith.constant dense<0.000000e+00> : vector<1024xf32>
    %reduce_sum3A_12 = vector.multi_reduction <add>, %select_n3A_11, %reduce_sum3A [1] : vector<1024x200xf32> to vector<1024xf32>
    %broadcast_in_dim3A_13 = vector.shape_cast %reduce_sum3A_12 : vector<1024xf32> to vector<1024x1xf32>
    %log3A = math.log %broadcast_in_dim3A_13 : vector<1024x1xf32>
    %add3A = arith.addf %log3A, %broadcast_in_dim3A_7 : vector<1024x1xf32>
    %sub3A_14 = vector.broadcast %add3A : vector<1024x1xf32> to vector<1024x200xf32>
    %sub3A_15 = arith.subf %get3A_1, %sub3A_14 : vector<1024x200xf32>
    %jit3A_16 = arith.constant 0xFF800000 : f32
    %broadcast_in_dim3A_17 = vector.broadcast %jit3A_16 : f32 to vector<1024x200xf32>
    %select_n3A_18 = arith.select %lt3A_5, %sub3A_15, %broadcast_in_dim3A_17 : vector<1024x200xi1>, vector<1024x200xf32>
    %swap3A = arith.constant 0 : index
    %swap3A_19 = arith.constant 0 : index
    %swap3A_20 = vector.load %arg4[%swap3A, %swap3A_19] : memref<1024x200xf32, #tpu.memory_space<vmem>>, vector<1024x200xf32>
    tpu.vector_store %arg4[%swap3A, %swap3A_19], %select_n3A_18 {strides = array<i32>} : memref<1024x200xf32, #tpu.memory_space<vmem>>, vector<1024x200xf32>,
    return
  }
  func.func @transform_0(%arg0: i32) -> (i32, i32) {
    %c0_i32 = arith.constant 0 : i32
    %c0_i32_0 = arith.constant 0 : i32
    return %arg0, %c0_i32 : i32, i32
  }
  func.func @transform_1(%arg0: i32) -> (i32, i32) {
    %c0_i32 = arith.constant 0 : i32
    %c0_i32_0 = arith.constant 0 : i32
    return %arg0, %c0_i32 : i32, i32
  }
  func.func @transform_3(%arg0: i32) -> (i32, i32) {
    %add3A = arith.constant 2 : i32
    %add3A_0 = arith.addi %add3A, %arg0 : i32
    %c0_i32 = arith.constant 0 : i32
    %c0_i32_1 = arith.constant 0 : i32
    return %add3A_0, %c0_i32 : i32, i32
  }
}

module attributes {stable_mosaic.version = 14 : i64} {
  func.func @_tc_body(%arg0: i32, %arg1: memref<1024x200xf32, #tpu.memory_space<vmem>>, %arg2: memref<1024x1xi32, #tpu.memory_space<vmem>>, %arg3: memref<16384x200xf32, #tpu.memory_space<any>>, %arg4: memref<1024x200xf32, #tpu.memory_space<vmem>>) attributes {dimension_semantics = [#tpu.dimension_semantics<arbitrary>], iteration_bounds = array<i64: 6>, scalar_prefetch = 0 : i64, scratch_operands = 0 : i64, tpu.core_type = #tpu.core_type<tc>, window_params = [{transform_indices = @transform_0, window_bounds = array<i64: 1024, 200>}, {transform_indices = @transform_1, window_bounds = array<i64: 1024, 1>}, {}, {transform_indices = @transform_3, window_bounds = array<i64: 1024, 200>}]} {
    %get3A = arith.constant 0 : index
    %get3A_0 = arith.constant 0 : index
    %get3A_1 = vector.load %arg1[%get3A, %get3A_0] : memref<1024x200xf32, #tpu.memory_space<vmem>>, vector<1024x200xf32>
    %get3A_2 = arith.constant 0 : index
    %get3A_3 = arith.constant 0 : index
    %get3A_4 = vector.load %arg2[%get3A_2, %get3A_3] : memref<1024x1xi32, #tpu.memory_space<vmem>>, vector<1024x1xi32>
    %iota3A = tpu.iota {dimensions = array<i32: 1>} : vector<1024x200xi32>
    %lt3A = vector.broadcast %get3A_4 : vector<1024x1xi32> to vector<1024x200xi32>
    %lt3A_5 = arith.cmpi slt, %iota3A, %lt3A : vector<1024x200xi32>
    %jit3A = arith.constant 0xFF800000 : f32
    %broadcast_in_dim3A = vector.broadcast %jit3A : f32 to vector<1024x200xf32>
    %select_n3A = arith.select %lt3A_5, %get3A_1, %broadcast_in_dim3A : vector<1024x200xi1>, vector<1024x200xf32>
    %reduce_max3A = arith.constant dense<0xFF800000> : vector<1024xf32>
    %reduce_max3A_6 = vector.multi_reduction <maximumf>, %select_n3A, %reduce_max3A [1] : vector<1024x200xf32> to vector<1024xf32>
    %broadcast_in_dim3A_7 = vector.shape_cast %reduce_max3A_6 : vector<1024xf32> to vector<1024x1xf32>
    %sub3A = vector.broadcast %broadcast_in_dim3A_7 : vector<1024x1xf32> to vector<1024x200xf32>
    %sub3A_8 = arith.subf %get3A_1, %sub3A : vector<1024x200xf32>
    %exp3A = math.exp %sub3A_8 : vector<1024x200xf32>
    %jit3A_9 = arith.constant 0.000000e+00 : f32
    %broadcast_in_dim3A_10 = vector.broadcast %jit3A_9 : f32 to vector<1024x200xf32>
    %select_n3A_11 = arith.select %lt3A_5, %exp3A, %broadcast_in_dim3A_10 : vector<1024x200xi1>, vector<1024x200xf32>
    %reduce_sum3A = arith.constant dense<0.000000e+00> : vector<1024xf32>
    %reduce_sum3A_12 = vector.multi_reduction <add>, %select_n3A_11, %reduce_sum3A [1] : vector<1024x200xf32> to vector<1024xf32>
    %broadcast_in_dim3A_13 = vector.shape_cast %reduce_sum3A_12 : vector<1024xf32> to vector<1024x1xf32>
    %log3A = math.log %broadcast_in_dim3A_13 : vector<1024x1xf32>
    %add3A = arith.addf %log3A, %broadcast_in_dim3A_7 : vector<1024x1xf32>
    %sub3A_14 = vector.broadcast %add3A : vector<1024x1xf32> to vector<1024x200xf32>
    %sub3A_15 = arith.subf %get3A_1, %sub3A_14 : vector<1024x200xf32>
    %jit3A_16 = arith.constant 0xFF800000 : f32
    %broadcast_in_dim3A_17 = vector.broadcast %jit3A_16 : f32 to vector<1024x200xf32>
    %select_n3A_18 = arith.select %lt3A_5, %sub3A_15, %broadcast_in_dim3A_17 : vector<1024x200xi1>, vector<1024x200xf32>
    %swap3A = arith.constant 0 : index
    %swap3A_19 = arith.constant 0 : index
    %swap3A_20 = vector.load %arg4[%swap3A, %swap3A_19] : memref<1024x200xf32, #tpu.memory_space<vmem>>, vector<1024x200xf32>
    tpu.vector_store %arg4[%swap3A, %swap3A_19], %select_n3A_18 {strides = array<i32>} : memref<1024x200xf32, #tpu.memory_space<vmem>>, vector<1024x200xf32>,
    return
  }
  func.func @transform_0(%arg0: i32) -> (i32, i32) {
    %c0_i32 = arith.constant 0 : i32
    %c0_i32_0 = arith.constant 0 : i32
    return %arg0, %c0_i32 : i32, i32
  }
  func.func @transform_1(%arg0: i32) -> (i32, i32) {
    %c0_i32 = arith.constant 0 : i32
    %c0_i32_0 = arith.constant 0 : i32
    return %arg0, %c0_i32 : i32, i32
  }
  func.func @transform_3(%arg0: i32) -> (i32, i32) {
    %add3A = arith.constant 8 : i32
    %add3A_0 = arith.addi %add3A, %arg0 : i32
    %c0_i32 = arith.constant 0 : i32
    %c0_i32_1 = arith.constant 0 : i32
    return %add3A_0, %c0_i32 : i32, i32
  }
}

module attributes {stable_mosaic.version = 14 : i64} {
  func.func @_tc_body(%arg0: i32, %arg1: memref<1024x200xf32, #tpu.memory_space<vmem>>, %arg2: memref<1024x1xi32, #tpu.memory_space<vmem>>, %arg3: memref<16384x200xf32, #tpu.memory_space<any>>, %arg4: memref<1024x200xf32, #tpu.memory_space<vmem>>) attributes {dimension_semantics = [#tpu.dimension_semantics<arbitrary>], iteration_bounds = array<i64: 2>, scalar_prefetch = 0 : i64, scratch_operands = 0 : i64, tpu.core_type = #tpu.core_type<tc>, window_params = [{transform_indices = @transform_0, window_bounds = array<i64: 1024, 200>}, {transform_indices = @transform_1, window_bounds = array<i64: 1024, 1>}, {}, {transform_indices = @transform_3, window_bounds = array<i64: 1024, 200>}]} {
    %get3A = arith.constant 0 : index
    %get3A_0 = arith.constant 0 : index
    %get3A_1 = vector.load %arg1[%get3A, %get3A_0] : memref<1024x200xf32, #tpu.memory_space<vmem>>, vector<1024x200xf32>
    %get3A_2 = arith.constant 0 : index
    %get3A_3 = arith.constant 0 : index
    %get3A_4 = vector.load %arg2[%get3A_2, %get3A_3] : memref<1024x1xi32, #tpu.memory_space<vmem>>, vector<1024x1xi32>
    %iota3A = tpu.iota {dimensions = array<i32: 1>} : vector<1024x200xi32>
    %lt3A = vector.broadcast %get3A_4 : vector<1024x1xi32> to vector<1024x200xi32>
    %lt3A_5 = arith.cmpi slt, %iota3A, %lt3A : vector<1024x200xi32>
    %jit3A = arith.constant 0xFF800000 : f32
    %broadcast_in_dim3A = vector.broadcast %jit3A : f32 to vector<1024x200xf32>
    %select_n3A = arith.select %lt3A_5, %get3A_1, %broadcast_in_dim3A : vector<1024x200xi1>, vector<1024x200xf32>
    %reduce_max3A = arith.constant dense<0xFF800000> : vector<1024xf32>
    %reduce_max3A_6 = vector.multi_reduction <maximumf>, %select_n3A, %reduce_max3A [1] : vector<1024x200xf32> to vector<1024xf32>
    %broadcast_in_dim3A_7 = vector.shape_cast %reduce_max3A_6 : vector<1024xf32> to vector<1024x1xf32>
    %sub3A = vector.broadcast %broadcast_in_dim3A_7 : vector<1024x1xf32> to vector<1024x200xf32>
    %sub3A_8 = arith.subf %get3A_1, %sub3A : vector<1024x200xf32>
    %exp3A = math.exp %sub3A_8 : vector<1024x200xf32>
    %jit3A_9 = arith.constant 0.000000e+00 : f32
    %broadcast_in_dim3A_10 = vector.broadcast %jit3A_9 : f32 to vector<1024x200xf32>
    %select_n3A_11 = arith.select %lt3A_5, %exp3A, %broadcast_in_dim3A_10 : vector<1024x200xi1>, vector<1024x200xf32>
    %reduce_sum3A = arith.constant dense<0.000000e+00> : vector<1024xf32>
    %reduce_sum3A_12 = vector.multi_reduction <add>, %select_n3A_11, %reduce_sum3A [1] : vector<1024x200xf32> to vector<1024xf32>
    %broadcast_in_dim3A_13 = vector.shape_cast %reduce_sum3A_12 : vector<1024xf32> to vector<1024x1xf32>
    %log3A = math.log %broadcast_in_dim3A_13 : vector<1024x1xf32>
    %add3A = arith.addf %log3A, %broadcast_in_dim3A_7 : vector<1024x1xf32>
    %sub3A_14 = vector.broadcast %add3A : vector<1024x1xf32> to vector<1024x200xf32>
    %sub3A_15 = arith.subf %get3A_1, %sub3A_14 : vector<1024x200xf32>
    %jit3A_16 = arith.constant 0xFF800000 : f32
    %broadcast_in_dim3A_17 = vector.broadcast %jit3A_16 : f32 to vector<1024x200xf32>
    %select_n3A_18 = arith.select %lt3A_5, %sub3A_15, %broadcast_in_dim3A_17 : vector<1024x200xi1>, vector<1024x200xf32>
    %swap3A = arith.constant 0 : index
    %swap3A_19 = arith.constant 0 : index
    %swap3A_20 = vector.load %arg4[%swap3A, %swap3A_19] : memref<1024x200xf32, #tpu.memory_space<vmem>>, vector<1024x200xf32>
    tpu.vector_store %arg4[%swap3A, %swap3A_19], %select_n3A_18 {strides = array<i32>} : memref<1024x200xf32, #tpu.memory_space<vmem>>, vector<1024x200xf32>,
    return
  }
  func.func @transform_0(%arg0: i32) -> (i32, i32) {
    %c0_i32 = arith.constant 0 : i32
    %c0_i32_0 = arith.constant 0 : i32
    return %arg0, %c0_i32 : i32, i32
  }
  func.func @transform_1(%arg0: i32) -> (i32, i32) {
    %c0_i32 = arith.constant 0 : i32
    %c0_i32_0 = arith.constant 0 : i32
    return %arg0, %c0_i32 : i32, i32
  }
  func.func @transform_3(%arg0: i32) -> (i32, i32) {
    %add3A = arith.constant 14 : i32
    %add3A_0 = arith.addi %add3A, %arg0 : i32
    %c0_i32 = arith.constant 0 : i32
    %c0_i32_1 = arith.constant 0 : i32
    return %add3A_0, %c0_i32 : i32, i32
  }
}

</mosaic_0001>

<sc_bundles>
// kernel: kernel.10.cloned.1.call-start
scs
__scs_entry_jumppad:
0x0: {  	(pc) =	sbr.rel $0x88, $3  }
0x1: {  	(tag) =	ssettag $0x0;
	lr =	simm.s32 $0x1  }
0x2: {  	[smem:$0x3F9E] =	sst lr;
	_ =	strace $0xD0000000  }
0x3: {  	_ = 	snop  }
0x4: {  	_ = 	snop  }
0x5: {  	_ = 	snop  }
0x6: {  	_ = 	snop  }
0x7: {  	_ = 	snop  }
__scs_overlays_trampoline_lowered:
0x8: {  	[smem:$0x3FAD] =	sst s0  }
0x9: {  	[smem:$0x3FAE] =	sst s1  }
0xa: {  	[smem:$0x3FAF] =	sst s2  }
0xb: {  	[smem:$0x3FB0] =	sst s3  }
0xc: {  	[smem:$0x3FB1] =	sst s4  }
0xd: {  	[smem:$0x3FB2] =	sst s5  }
0xe: {  	[smem:$0x3FB3] =	sst s6  }
0xf: {  	[smem:$0x3FB4] =	sst s7  }
0x10: {  	[smem:$0x3FB5] =	sst s8  }
0x11: {  	[smem:$0x3FB6] =	sst s9;
	s0 =	simm.s32 @!p0 $0x0  }
0x12: {  	s1 =	sld [smem:$0x3F9C];
	s0 =	simm.s32 @p0 $0x1  }
0x13: {  	[smem:$0x3FB7] =	sst s0;
	s0 =	simm.s32 @!p1 $0x0  }
0x14: {  	s2 =	sld [smem:$0x3F9B];
	s0 =	simm.s32 @p1 $0x1  }
0x15: {  	[smem:$0x3FB8] =	sst s0;
	s0 =	simm.s32 @!p2 $0x0  }
0x16: {  	s3 =	sld [smem:$0x3FDB];
	s0 =	simm.s32 @p2 $0x1  }
0x17: {  	s4 =	simm.s32 $0x1BF5;
	[smem:$0x3FBA] =	sst s0  }
0x18: {  	s0 =	sld [smem:$0x3F9D];
	_ =	swait.ge [sflag:s4], $0x0  }
0x19: {  	s7 =	sld [smem:$0x3F9E]  }
0x1a: {  	s8 =	sadd.s32 $0xFFFFE003, lr  }
0x1b: {  	s9 =	sadd.s32 $0xFFFFFEF7, lr;
	s5 =	simm.s32 $0xFFFFFFFF;
	p2 =	slt.u32 s8, $0xFFFFF086  }
0x1c: {  	p1 =	slt.u32 s9, $0xF7A;
	s5 =	simm.s32 @!p2 $0x0  }
0x1d: {  	s5 =	simm.s32 @p1 $0x1;
	p0 =	seq.s32 s7, s2  }
0x1e: {  	s7 =	smul.u32 @!p0 $0xF7A, s2;
	p2 =	seq.s32 @!p0 s5, $0x0  }
0x1f: {  	s9 =	smul.u32 $0xF7A, s1;
	s8 =	simm.s32 @!p0 $0x1BF5;
	p2 =	por !p2, p0  }
0x20: {  	[sflag:s8] =	ssyncset.s32 @!p0 $0xFFFFF086;
	s6 =	sadd.s32 @!p0 s3, s7;
	s7 =	simm.s32 @!p0 $0x108  }
0x21: {  	s3 =	sadd.s32 s3, s9;
	s6 =	sadd.s32 @!p0 $0x88, s6;
	s7 =	simm.s32 @p2 $0x1082  }
0x22: {  	[simem:s7], [sflag:s8] =	dma.local @!p0 [hbm:s6], $0xF7A  }
0x23: {  	s9 =	sor.u32 $0xD0000000, s2;
	s6 =	simm.s32 $0x108;
	_ =	swait.ge @!p0 [sflag:s8], $0x0  }
0x24: {  	s3 =	sadd.s32 $0x88, s3;
	s6 =	simm.s32 @!p1 $0x1082;
	[sflag:s4] =	ssyncset.s32 $0xFFFFF086  }
0x25: {  	[simem:s6], [sflag:s4] =	dma.local [hbm:s3], $0xF7A  }
0x26: {  	[smem:$0x3F9E] =	sst s1;
	(tag) =	ssettag s2;
	_ =	strace s9  }
0x27: {  	s1 =	sld [smem:$0x3FAE]  }
0x28: {  	s2 =	sld [smem:$0x3FAF]  }
0x29: {  	s4 =	sld [smem:$0x3FB1]  }
0x2a: {  	p0 =	seq.s32 s5, $0x0;
	s5 =	sld [smem:$0x3FB2]  }
0x2b: {  	s6 =	sld [smem:$0x3FB3]  }
0x2c: {  	s7 =	sld [smem:$0x3FB4]  }
0x2d: {  	s3 =	simm.s32 $0x108;
	s8 =	sld [smem:$0x3FB5]  }
0x2e: {  	s3 =	simm.s32 @!p0 $0x1082;
	s9 =	sld [smem:$0x3FB6]  }
0x2f: {  	lr =	sadd.s32 s0, s3;
	s0 =	sld [smem:$0x3FAD]  }
0x30: {  	s3 =	sld [smem:$0x3FB0]  }
0x31: {  	[smem:$0x3FB9] =	sst s10  }
0x32: {  	s10 =	sld [smem:$0x3FB7];
	_ =	sdelay $0x3  }
0x33: {  	p0 =	seq.s32 s10, $0x1;
	s10 =	sld [smem:$0x3FB9];
	_ =	sdelay $0x3  }
0x34: {  	[smem:$0x3FB9] =	sst s10  }
0x35: {  	s10 =	sld [smem:$0x3FB8];
	_ =	sdelay $0x3  }
0x36: {  	p1 =	seq.s32 s10, $0x1;
	s10 =	sld [smem:$0x3FB9];
	_ =	sdelay $0x3  }
0x37: {  	[smem:$0x3FB9] =	sst s10  }
0x38: {  	s10 =	sld [smem:$0x3FBA]  }
0x39: {  	_ = 	snop;
	(pc) =	sbr.ind lr, $3  }
0x3a: {  	_ = 	snop  }
0x3b: {  	_ = 	snop  }
0x3c: {  	p2 =	seq.s32 s10, $0x1;
	s10 =	sld [smem:$0x3FB9]  }
0x3d: {  	_ =	shalt  }
0x3e: {  	_ =	shalt  }
0x3f: {  	_ =	shalt  }
0x40: {  	_ =	shalt  }
0x41: {  	_ =	shalt  }
0x42: {  	_ =	shalt  }
0x43: {  	_ =	shalt  }
0x44: {  	_ =	shalt  }
0x45: {  	_ =	shalt  }
0x46: {  	_ =	shalt  }
0x47: {  	_ =	shalt  }
0x48: {  	_ =	shalt  }
0x49: {  	_ =	shalt  }
0x4a: {  	_ =	shalt  }
0x4b: {  	_ =	shalt  }
0x4c: {  	_ =	shalt  }
0x4d: {  	_ =	shalt  }
0x4e: {  	_ =	shalt  }
0x4f: {  	_ =	shalt  }
0x50: {  	_ =	shalt  }
0x51: {  	_ =	shalt  }
0x52: {  	_ =	shalt  }
0x53: {  	_ =	shalt  }
0x54: {  	_ =	shalt  }
0x55: {  	_ =	shalt  }
0x56: {  	_ =	shalt  }
0x57: {  	_ =	shalt  }
0x58: {  	_ =	shalt  }
0x59: {  	_ =	shalt  }
0x5a: {  	_ =	shalt  }
0x5b: {  	_ =	shalt  }
0x5c: {  	_ =	shalt  }
0x5d: {  	_ =	shalt  }
0x5e: {  	_ =	shalt  }
0x5f: {  	_ =	shalt  }
0x60: {  	_ =	shalt  }
0x61: {  	_ =	shalt  }
0x62: {  	_ =	shalt  }
0x63: {  	_ =	shalt  }
0x64: {  	_ =	shalt  }
0x65: {  	_ =	shalt  }
0x66: {  	_ =	shalt  }
0x67: {  	_ =	shalt  }
0x68: {  	_ =	shalt  }
0x69: {  	_ =	shalt  }
0x6a: {  	_ =	shalt  }
0x6b: {  	_ =	shalt  }
0x6c: {  	_ =	shalt  }
0x6d: {  	_ =	shalt  }
0x6e: {  	_ =	shalt  }
0x6f: {  	_ =	shalt  }
0x70: {  	_ =	shalt  }
0x71: {  	_ =	shalt  }
0x72: {  	_ =	shalt  }
0x73: {  	_ =	shalt  }
0x74: {  	_ =	shalt  }
0x75: {  	_ =	shalt  }
0x76: {  	_ =	shalt  }
0x77: {  	_ =	shalt  }
0x78: {  	_ =	shalt  }
0x79: {  	_ =	shalt  }
0x7a: {  	_ =	shalt  }
0x7b: {  	_ =	shalt  }
0x7c: {  	_ =	shalt  }
0x7d: {  	_ =	shalt  }
0x7e: {  	_ =	shalt  }
0x7f: {  	_ =	shalt  }
0x80: {  	_ =	shalt  }
0x81: {  	_ =	shalt  }
0x82: {  	_ =	shalt  }
0x83: {  	_ =	shalt  }
0x84: {  	_ =	shalt  }
0x85: {  	_ =	shalt  }
0x86: {  	_ =	shalt  }
0x87: {  	_ =	shalt  }
.Lfunc_end0:
.L_simem_size_0:
called_computation_lowered:
.L_overlay_start_0:
0x88: {  	s2 =	sld [smem:$0x3FD9]  }
0x89: {  	s3 =	sld [smem:$0x3FFE];
	_ =	sdelay $0x1  }
0x8a: {  	s1 =	srdreg.scid  }
0x8b: {  	s0 =	sand.u32 $0x1, s1  }
0x8c: {  	s16 =	sshll.u32 s0, $0xA;
	s2 =	sadd.s32 s3, s2  }
0x8d: {  	s2 =	sadd.s32 s2, s16  }
0x8e: {  	[smem:$0x3FC5] =	sst s2  }
0x8f: {  	_ = 	snop  }
0x90: {  	(tm) =	ssettm $0x1  }
0x91: {  	s17 =	sld [smem:$0x3FFB];
	_ =	sdelay $0x3  }
0x92: {  	_ =	strace s17  }
0x93: {  	s2 =	sld [smem:$0x3FFC];
	_ =	sdelay $0x3  }
0x94: {  	_ =	strace s2  }
0x95: {  	s2 =	sld [smem:$0x3FFD];
	_ =	sdelay $0x3  }
0x96: {  	_ =	strace s2  }
0x97: {  	_ =	strace $0x8FFFFFFF  }
0x98: {  	s18 =	sld [smem:$0x3FDB];
	_ =	sdelay $0x1  }
0x99: {  	s19 =	simm.s32 $_scs_section_size  }
0x9a: {  	s4 =	simm.s32 $_size__tile_overlayer_lowered;
	s5 =	simm.s32 $_tile_overlayer_lowered  }
0x9b: {  	s22 =	simm.s32 $0x1BFF;
	s21 =	sshll.u32 s5, $0x1;
	s2 =	sadd.s32 s19, s18  }
0x9c: {  	s6 =	simm.s32 $0x0;
	s20 =	sshll.u32 s4, $0x1;
	s4 =	sadd.s32 s21, s2  }
0x9d: {  	[timem:s6], [sflag:s22] =	dma.local [hbm:s4], s20  }
0x9e: {  	_ =	swait.ge [sflag:s22], s20  }
0x9f: {  	s3 =	ssub.s32 $0x0, s20;
	[sflag:s22] =	ssyncset.done $0x0  }
0xa0: {  	[sflag:s22] =	ssyncadd.s32 s3;
	_ =	sdelay $0x1  }
0xa1: {  	s23 =	simm.s32 $0x1B8B  }
0xa2: {  	_ =	swait.ge [sflag:s23], $0x1  }
0xa3: {  	[sflag:s23] =	ssyncset.done $0x0  }
0xa4: {  	s25 =	simm.s32 $0x1B8E;
	s24 =	sld [smem:$0x3FFE];
	[sflag:s23] =	ssyncadd.s32 $0xFFFFFFFF  }
0xa5: {  	s26 =	simm.s32 $execute0_lowered;
	[smem:$0x3FD2] =	sst s25  }
0xa6: {  	s4 =	sshll.u32 s26, $0x1;
	_ =	strace $0x80000046;
	[dreg:$0x1] =	wrdreg $0xFFFFFFFF  }
0xa7: {  	s28 =	simm.s32 $_size_execute0_lowered;
	s2 =	sadd.s32 s2, s4;
	[dreg:$0x0] =	wrdreg $0x0  }
0xa8: {  	s4 =	sshll.u32 s28, $0x1;
	[dreg:$0x2] =	wrdreg s2  }
0xa9: {  	[dreg:$0x3] =	wrdreg s4  }
0xaa: {  	[dreg:$0x4] =	wrdreg $0xC0  }
0xab: {  	_ =	task [dreg:s6], $0x5FFFF  }
0xac: {  	[dreg:$0x1] =	wrdreg $0xFFFFFFFF  }
0xad: {  	[dreg:$0x0] =	wrdreg $0x60  }
0xae: {  	[dreg:$0x2] =	wrdreg s24  }
0xaf: {  	[dreg:$0x3] =	wrdreg $0x9  }
0xb0: {  	_ =	task.clear_ibuf [dreg:s6], $0x4FFFF;
	_ =	strace $0x90000046  }
0xb1: {  	s29 =	simm.s32 $0x9;
	_ =	strace $0x80000048  }
0xb2: {  	_ =	swait.ge [sflag:s29], $0x1  }
0xb3: {  	[sflag:s29] =	ssyncadd.s32 $0xFFFFFFFF  }
0xb4: {  	_ =	strace $0x90000048  }
0xb5: {  	_ =	sfence  }
0xb6: {  	s30 =	sld [smem:$0x0];
	_ =	sdelay $0x2  }
0xb7: {  	s31 =	sshll.u32 s1, $0xD;
	s1 =	sshrl.u32 s1, $0x2  }
0xb8: {  	s3 =	sand.u32 $0x4000, s31;
	s1 =	sadd.s32 s1, s30  }
0xb9: {  	s0 =	sor.u32 s3, s0;
	s1 =	sshll.u32 s1, $0x11  }
0xba: {  	s0 =	sor.u32 s1, s0  }
0xbb: {  	s0 =	sadd.s32 $0x8F2B, s0  }
0xbc: {  	[sflag:s0] =	ssyncadd.remote.s32 $0x1  }
0xbd: {  	_ =	sfence.sel $0xFFFF  }
0xbe: {  	[dreg:$0x0] =	wrdreg $0xFFFFFFFF;
	(pc) =	sbr.abs _section_cstart, $3  }
0xbf: {  	[dreg:$0x1] =	wrdreg $0xFFFFFFFF  }
0xc0: {  	_ =	task.clear_ibuf [dreg:s6], $0x2FFFF;
	_ =	strace $0x9FFFFFFF  }
0xc1: {  	(tm) =	ssettm $0x7FFFFFFF  }
tec
execute0_lowered:
.L_overlay_start_1:
0x0: {  	(tag) =	ssettag $0x1  }
0x1: {  	s1 =	srdreg.scid;
	s0 =	stileid.u32  }
0x2: {  	s14 =	sand.u32 $0x1, s1;
	s30 =	sshll.u32 s0, $0x1  }
0x3: {  	s1 =	sor.u32 s14, s30  }
0x4: {  	s12 =	rddreg [dreg:$0x0];
	s2 =	simm.s32 $0x0;
	s3 =	smul.u32 $0x3200, s1  }
0x5: {  	[smem:$0x7FF] =	sst s2  }
0x6: {  	s4 =	sadd.s32 $0x2E00, s12;
	s1 =	rddreg [dreg:$0x1];
	s13 =	sshrl.u32 s3, $0x3  }
0x7: {  	_ =	strace $0x80000047;
	s3 =	sadd.s32 s4, s13;
	s15 =	sadd.s32 $0x320, s13  }
0x8: {  	[tilespmem:s2], [sflag:$0x1] =	stream.linear.gather [hbm4b:s3+s2], $0x1900, $0x38;
	[tilespmem:$0x6400] =	vst v63  }
0x9: {  	s5 =	simm.s32 $0x1900;
	s6 =	simm.s32 $0x1;
	s4 =	sadd.s32 s4, s15  }
0xa: {  	[tilespmem:s5], [sflag:$0x2] =	stream.linear.gather [hbm4b:s4+s2], $0x1900, $0x38;
	[tilespmem:$0x6400] =	vst v63  }
0xb: {  	_ =	swait.ge [sflag:s6], $0x1900  }
0xc: {  	s8 =	simm.s32 $0x3200;
	[sflag:s6] =	ssyncset.done $0x0  }
0xd: {  	s9 =	simm.s32 $0x2;
	s7 =	sadd.s32 $0xF600, s12;
	[sflag:s6] =	ssyncadd.s32 $0xFFFFE700  }
0xe: {  	[tilespmem:s8], [sflag:$0x5] =	stream.indirect.gather [hbm4b:s7+s5], $0x1, s2, s5, $0xb8;
	[tilespmem:$0x6400] =	vst v63  }
0xf: {  	_ =	swait.ge [sflag:s9], $0x1900  }
0x10: {  	[sflag:s9] =	ssyncset.done $0x0  }
0x11: {  	s10 =	simm.s32 $0x4B00;
	s11 =	simm.s32 $0x5;
	[sflag:s9] =	ssyncadd.s32 $0xFFFFE700  }
0x12: {  	[tilespmem:s10], [sflag:$0x6] =	stream.indirect.gather [hbm4b:s7+s5], $0x1, s5, s5, $0xb8;
	[tilespmem:$0x6400] =	vst v63  }
0x13: {  	s17 =	ssub.s32 $0x2, s14;
	_ =	swait.ge [sflag:s11], $0x1900  }
0x14: {  	s16 =	sadd.s32 $0x2E000, s12;
	s31 =	sshrl.u32 s17, $0x1;
	[sflag:s11] =	ssyncset.done $0x0  }
0x15: {  	s12 =	sadd.s32 s16, s13;
	s13 =	simm.s32 $0x6;
	[sflag:s11] =	ssyncadd.s32 $0xFFFFE700  }
0x16: {  	[hbm4b:s12+s2] =	stream.linear.scatter [tilespmem:s8], [sflag:$0x3], $0x1900, $0x38;
	[tilespmem:$0x6400] =	vst v63  }
0x17: {  	s14 =	sadd.s32 s16, s15;
	s16 =	ssub.s32 s17, s31;
	_ =	swait.ge [sflag:s13], $0x1900  }
0x18: {  	s17 =	smax.u32 s16, $0x1;
	[sflag:s13] =	ssyncset.done $0x0  }
0x19: {  	s15 =	simm.s32 $0x3;
	p0 =	sne.s32 s17, $0x1;
	[sflag:s13] =	ssyncadd.s32 $0xFFFFE700  }
0x1a: {  	[hbm4b:s14+s2] =	stream.linear.scatter [tilespmem:s10], [sflag:$0x4], $0x1900, $0x38;
	[tilespmem:$0x6400] =	vst v63  }
.Ltmp0:
0x1b: {  	_ =	swait.ge [sflag:s15], $0x1900;
	(pc) =	sbr.rel @!p0 .LBB2_2-.Ltmp0, $4  }
0x1c: {  	[sflag:s15] =	ssyncset.done $0x0  }
0x1d: {  	s16 =	simm.s32 $0x4;
	[sflag:s15] =	ssyncadd.s32 $0xFFFFE700  }
0x1e: {  	_ =	swait.ge [sflag:s16], $0x1900  }
0x1f: {  	s17 =	sadd.s32 $0xFFFFFFFF, s17;
	[sflag:s16] =	ssyncset.done $0x0  }
.LBB2_1:
0x20: {  	p0 =	sne.s32 s17, $0x1;
	s17 =	sadd.s32 $0xFFFFFFFF, s17;
	[sflag:s16] =	ssyncadd.s32 $0xFFFFE700  }
0x21: {  	[tilespmem:s2], [sflag:$0x1] =	stream.linear.gather [hbm4b:s3+s2], $0x1900, $0x38;
	[tilespmem:$0x6400] =	vst v63  }
0x22: {  	_ = 	snop  }
0x23: {  	[tilespmem:s5], [sflag:$0x2] =	stream.linear.gather [hbm4b:s4+s2], $0x1900, $0x38;
	[tilespmem:$0x6400] =	vst v63  }
0x24: {  	_ =	swait.ge [sflag:s6], $0x1900  }
0x25: {  	[sflag:s6] =	ssyncset.done $0x0  }
0x26: {  	[sflag:s6] =	ssyncadd.s32 $0xFFFFE700  }
0x27: {  	[tilespmem:s8], [sflag:$0x5] =	stream.indirect.gather [hbm4b:s7+s5], $0x1, s2, s5, $0xb8;
	[tilespmem:$0x6400] =	vst v63  }
0x28: {  	_ =	swait.ge [sflag:s9], $0x1900  }
0x29: {  	[sflag:s9] =	ssyncset.done $0x0  }
0x2a: {  	[sflag:s9] =	ssyncadd.s32 $0xFFFFE700  }
0x2b: {  	[tilespmem:s10], [sflag:$0x6] =	stream.indirect.gather [hbm4b:s7+s5], $0x1, s5, s5, $0xb8;
	[tilespmem:$0x6400] =	vst v63  }
0x2c: {  	_ =	swait.ge [sflag:s11], $0x1900  }
0x2d: {  	[sflag:s11] =	ssyncset.done $0x0  }
0x2e: {  	[sflag:s11] =	ssyncadd.s32 $0xFFFFE700  }
0x2f: {  	[hbm4b:s12+s2] =	stream.linear.scatter [tilespmem:s8], [sflag:$0x3], $0x1900, $0x38;
	[tilespmem:$0x6400] =	vst v63  }
0x30: {  	_ =	swait.ge [sflag:s13], $0x1900  }
0x31: {  	[sflag:s13] =	ssyncset.done $0x0  }
0x32: {  	[sflag:s13] =	ssyncadd.s32 $0xFFFFE700  }
0x33: {  	[hbm4b:s14+s2] =	stream.linear.scatter [tilespmem:s10], [sflag:$0x4], $0x1900, $0x38;
	[tilespmem:$0x6400] =	vst v63  }
.Ltmp1:
0x34: {  	_ =	swait.ge [sflag:s15], $0x1900;
	(pc) =	sbr.rel @p0 .LBB2_1-.Ltmp1, $4  }
0x35: {  	[sflag:s15] =	ssyncset.done $0x0  }
0x36: {  	[sflag:s15] =	ssyncadd.s32 $0xFFFFE700  }
0x37: {  	_ =	swait.ge [sflag:s16], $0x1900  }
0x38: {  	[sflag:s16] =	ssyncset.done $0x0  }
.LBB2_2:
0x39: {  	[sflag:s16] =	ssyncadd.s32 $0xFFFFE700  }
0x3a: {  	_ =	sfence.sel $0x180000  }
0x3b: {  	[bflag:$0x0] =	sbarrier.arrive $0xFFFF  }
0x3c: {  	p0 =	sne.s32 s0, $0x0;
	_ =	strace $0x90000047  }
0x3d: {  	s0 =	sadd.s32 @!p0 $0x100000, s1;
	[bflag:$0x2] =	sbarrier.arrive $0xFFFF  }
0x3e: {  	[sflag:s0] =	ssyncadd.tile.s32 @!p0 $0x1;
	_ =	shalt  }
.Lfunc_end2:
_tile_overlayer_lowered:
.L_overlay_start_2:
0x3f: {  	(tag) =	ssettag $0x2  }
0x40: {  	s0 =	rddreg [dreg:$0x0];
	s2 =	stileid.u32  }
0x41: {  	s1 =	rddreg [dreg:$0x1];
	p0 =	sne.s32 s2, $0x0  }
0x42: {  	s3 =	rddreg [dreg:$0x2];
	[bflag:$0x3] =	sbarrier.arrive $0xFFFF;
	s2 =	simm.s32 @!p0 $0x1C07  }
0x43: {  	[timem:s3], [sflag:s2] =	dma.local @!p0 [hbm:s0], s1  }
0x44: {  	s0 =	simm.s32 @!p0 $0x7  }
0x45: {  	_ =	swait.ge @!p0 [sflag:s0], s1  }
0x46: {  	s1 =	ssub.s32 @!p0 $0x0, s1;
	[sflag:s0] =	ssyncset.done @!p0 $0x0  }
0x47: {  	[sflag:s0] =	ssyncadd.s32 @!p0 s1  }
0x48: {  	[bflag:$0x3] =	sbarrier.arrive $0xFFFF  }
0x49: {  	_ =	shalt  }

// kernel: kernel.13.cloned.1.call-start
scs
__scs_entry_jumppad:
0x0: {  	(pc) =	sbr.rel $0x88, $3  }
0x1: {  	(tag) =	ssettag $0x0;
	lr =	simm.s32 $0x1  }
0x2: {  	[smem:$0x3F9E] =	sst lr;
	_ =	strace $0xD0000000  }
0x3: {  	_ = 	snop  }
0x4: {  	_ = 	snop  }
0x5: {  	_ = 	snop  }
0x6: {  	_ = 	snop  }
0x7: {  	_ = 	snop  }
__scs_overlays_trampoline_lowered:
0x8: {  	[smem:$0x3FAD] =	sst s0  }
0x9: {  	[smem:$0x3FAE] =	sst s1  }
0xa: {  	[smem:$0x3FAF] =	sst s2  }
0xb: {  	[smem:$0x3FB0] =	sst s3  }
0xc: {  	[smem:$0x3FB1] =	sst s4  }
0xd: {  	[smem:$0x3FB2] =	sst s5  }
0xe: {  	[smem:$0x3FB3] =	sst s6  }
0xf: {  	[smem:$0x3FB4] =	sst s7  }
0x10: {  	[smem:$0x3FB5] =	sst s8  }
0x11: {  	[smem:$0x3FB6] =	sst s9;
	s0 =	simm.s32 @!p0 $0x0  }
0x12: {  	s1 =	sld [smem:$0x3F9C];
	s0 =	simm.s32 @p0 $0x1  }
0x13: {  	[smem:$0x3FB7] =	sst s0;
	s0 =	simm.s32 @!p1 $0x0  }
0x14: {  	s2 =	sld [smem:$0x3F9B];
	s0 =	simm.s32 @p1 $0x1  }
0x15: {  	[smem:$0x3FB8] =	sst s0;
	s0 =	simm.s32 @!p2 $0x0  }
0x16: {  	s3 =	sld [smem:$0x3FDB];
	s0 =	simm.s32 @p2 $0x1  }
0x17: {  	s4 =	simm.s32 $0x1BF5;
	[smem:$0x3FBA] =	sst s0  }
0x18: {  	s0 =	sld [smem:$0x3F9D];
	_ =	swait.ge [sflag:s4], $0x0  }
0x19: {  	s7 =	sld [smem:$0x3F9E]  }
0x1a: {  	s8 =	sadd.s32 $0xFFFFE003, lr  }
0x1b: {  	s9 =	sadd.s32 $0xFFFFFEF7, lr;
	s5 =	simm.s32 $0xFFFFFFFF;
	p2 =	slt.u32 s8, $0xFFFFF086  }
0x1c: {  	p1 =	slt.u32 s9, $0xF7A;
	s5 =	simm.s32 @!p2 $0x0  }
0x1d: {  	s5 =	simm.s32 @p1 $0x1;
	p0 =	seq.s32 s7, s2  }
0x1e: {  	s7 =	smul.u32 @!p0 $0xF7A, s2;
	p2 =	seq.s32 @!p0 s5, $0x0  }
0x1f: {  	s9 =	smul.u32 $0xF7A, s1;
	s8 =	simm.s32 @!p0 $0x1BF5;
	p2 =	por !p2, p0  }
0x20: {  	[sflag:s8] =	ssyncset.s32 @!p0 $0xFFFFF086;
	s6 =	sadd.s32 @!p0 s3, s7;
	s7 =	simm.s32 @!p0 $0x108  }
0x21: {  	s3 =	sadd.s32 s3, s9;
	s6 =	sadd.s32 @!p0 $0x88, s6;
	s7 =	simm.s32 @p2 $0x1082  }
0x22: {  	[simem:s7], [sflag:s8] =	dma.local @!p0 [hbm:s6], $0xF7A  }
0x23: {  	s9 =	sor.u32 $0xD0000000, s2;
	s6 =	simm.s32 $0x108;
	_ =	swait.ge @!p0 [sflag:s8], $0x0  }
0x24: {  	s3 =	sadd.s32 $0x88, s3;
	s6 =	simm.s32 @!p1 $0x1082;
	[sflag:s4] =	ssyncset.s32 $0xFFFFF086  }
0x25: {  	[simem:s6], [sflag:s4] =	dma.local [hbm:s3], $0xF7A  }
0x26: {  	[smem:$0x3F9E] =	sst s1;
	(tag) =	ssettag s2;
	_ =	strace s9  }
0x27: {  	s1 =	sld [smem:$0x3FAE]  }
0x28: {  	s2 =	sld [smem:$0x3FAF]  }
0x29: {  	s4 =	sld [smem:$0x3FB1]  }
0x2a: {  	p0 =	seq.s32 s5, $0x0;
	s5 =	sld [smem:$0x3FB2]  }
0x2b: {  	s6 =	sld [smem:$0x3FB3]  }
0x2c: {  	s7 =	sld [smem:$0x3FB4]  }
0x2d: {  	s3 =	simm.s32 $0x108;
	s8 =	sld [smem:$0x3FB5]  }
0x2e: {  	s3 =	simm.s32 @!p0 $0x1082;
	s9 =	sld [smem:$0x3FB6]  }
0x2f: {  	lr =	sadd.s32 s0, s3;
	s0 =	sld [smem:$0x3FAD]  }
0x30: {  	s3 =	sld [smem:$0x3FB0]  }
0x31: {  	[smem:$0x3FB9] =	sst s10  }
0x32: {  	s10 =	sld [smem:$0x3FB7];
	_ =	sdelay $0x3  }
0x33: {  	p0 =	seq.s32 s10, $0x1;
	s10 =	sld [smem:$0x3FB9];
	_ =	sdelay $0x3  }
0x34: {  	[smem:$0x3FB9] =	sst s10  }
0x35: {  	s10 =	sld [smem:$0x3FB8];
	_ =	sdelay $0x3  }
0x36: {  	p1 =	seq.s32 s10, $0x1;
	s10 =	sld [smem:$0x3FB9];
	_ =	sdelay $0x3  }
0x37: {  	[smem:$0x3FB9] =	sst s10  }
0x38: {  	s10 =	sld [smem:$0x3FBA]  }
0x39: {  	_ = 	snop;
	(pc) =	sbr.ind lr, $3  }
0x3a: {  	_ = 	snop  }
0x3b: {  	_ = 	snop  }
0x3c: {  	p2 =	seq.s32 s10, $0x1;
	s10 =	sld [smem:$0x3FB9]  }
0x3d: {  	_ =	shalt  }
0x3e: {  	_ =	shalt  }
0x3f: {  	_ =	shalt  }
0x40: {  	_ =	shalt  }
0x41: {  	_ =	shalt  }
0x42: {  	_ =	shalt  }
0x43: {  	_ =	shalt  }
0x44: {  	_ =	shalt  }
0x45: {  	_ =	shalt  }
0x46: {  	_ =	shalt  }
0x47: {  	_ =	shalt  }
0x48: {  	_ =	shalt  }
0x49: {  	_ =	shalt  }
0x4a: {  	_ =	shalt  }
0x4b: {  	_ =	shalt  }
0x4c: {  	_ =	shalt  }
0x4d: {  	_ =	shalt  }
0x4e: {  	_ =	shalt  }
0x4f: {  	_ =	shalt  }
0x50: {  	_ =	shalt  }
0x51: {  	_ =	shalt  }
0x52: {  	_ =	shalt  }
0x53: {  	_ =	shalt  }
0x54: {  	_ =	shalt  }
0x55: {  	_ =	shalt  }
0x56: {  	_ =	shalt  }
0x57: {  	_ =	shalt  }
0x58: {  	_ =	shalt  }
0x59: {  	_ =	shalt  }
0x5a: {  	_ =	shalt  }
0x5b: {  	_ =	shalt  }
0x5c: {  	_ =	shalt  }
0x5d: {  	_ =	shalt  }
0x5e: {  	_ =	shalt  }
0x5f: {  	_ =	shalt  }
0x60: {  	_ =	shalt  }
0x61: {  	_ =	shalt  }
0x62: {  	_ =	shalt  }
0x63: {  	_ =	shalt  }
0x64: {  	_ =	shalt  }
0x65: {  	_ =	shalt  }
0x66: {  	_ =	shalt  }
0x67: {  	_ =	shalt  }
0x68: {  	_ =	shalt  }
0x69: {  	_ =	shalt  }
0x6a: {  	_ =	shalt  }
0x6b: {  	_ =	shalt  }
0x6c: {  	_ =	shalt  }
0x6d: {  	_ =	shalt  }
0x6e: {  	_ =	shalt  }
0x6f: {  	_ =	shalt  }
0x70: {  	_ =	shalt  }
0x71: {  	_ =	shalt  }
0x72: {  	_ =	shalt  }
0x73: {  	_ =	shalt  }
0x74: {  	_ =	shalt  }
0x75: {  	_ =	shalt  }
0x76: {  	_ =	shalt  }
0x77: {  	_ =	shalt  }
0x78: {  	_ =	shalt  }
0x79: {  	_ =	shalt  }
0x7a: {  	_ =	shalt  }
0x7b: {  	_ =	shalt  }
0x7c: {  	_ =	shalt  }
0x7d: {  	_ =	shalt  }
0x7e: {  	_ =	shalt  }
0x7f: {  	_ =	shalt  }
0x80: {  	_ =	shalt  }
0x81: {  	_ =	shalt  }
0x82: {  	_ =	shalt  }
0x83: {  	_ =	shalt  }
0x84: {  	_ =	shalt  }
0x85: {  	_ =	shalt  }
0x86: {  	_ =	shalt  }
0x87: {  	_ =	shalt  }
.Lfunc_end0:
.L_simem_size_0:
called_computation.1_lowered:
.L_overlay_start_0:
0x88: {  	s2 =	sld [smem:$0x3FD9]  }
0x89: {  	s3 =	sld [smem:$0x3FFE];
	_ =	sdelay $0x1  }
0x8a: {  	s1 =	srdreg.scid  }
0x8b: {  	s0 =	sand.u32 $0x1, s1  }
0x8c: {  	s17 =	sshll.u32 s0, $0xA;
	s2 =	sadd.s32 s3, s2  }
0x8d: {  	s2 =	sadd.s32 s2, s17  }
0x8e: {  	[smem:$0x3FC5] =	sst s2  }
0x8f: {  	_ = 	snop  }
0x90: {  	(tm) =	ssettm $0x1  }
0x91: {  	s18 =	sld [smem:$0x3FFB];
	_ =	sdelay $0x3  }
0x92: {  	_ =	strace s18  }
0x93: {  	s2 =	sld [smem:$0x3FFC];
	_ =	sdelay $0x3  }
0x94: {  	_ =	strace s2  }
0x95: {  	s2 =	sld [smem:$0x3FFD];
	_ =	sdelay $0x3  }
0x96: {  	_ =	strace s2  }
0x97: {  	_ =	strace $0x8FFFFFFF  }
0x98: {  	s19 =	sld [smem:$0x3FDB];
	_ =	sdelay $0x1  }
0x99: {  	s20 =	simm.s32 $_scs_section_size  }
0x9a: {  	s4 =	simm.s32 $_size__tile_overlayer_lowered;
	s5 =	simm.s32 $_tile_overlayer_lowered  }
0x9b: {  	s6 =	simm.s32 $0x1BFF;
	s21 =	sshll.u32 s5, $0x1;
	s3 =	sadd.s32 s20, s19  }
0x9c: {  	s22 =	simm.s32 $0x0;
	s4 =	sshll.u32 s4, $0x1;
	s5 =	sadd.s32 s21, s3  }
0x9d: {  	[timem:s22], [sflag:s6] =	dma.local [hbm:s5], s4  }
0x9e: {  	_ =	swait.ge [sflag:s6], s4  }
0x9f: {  	s4 =	ssub.s32 $0x0, s4;
	[sflag:s6] =	ssyncset.done $0x0  }
0xa0: {  	[sflag:s6] =	ssyncadd.s32 s4;
	_ =	sdelay $0x1  }
0xa1: {  	s23 =	simm.s32 $0x1B8B  }
0xa2: {  	_ =	swait.ge [sflag:s23], $0x1  }
0xa3: {  	[sflag:s23] =	ssyncset.done $0x0  }
0xa4: {  	[sflag:s23] =	ssyncadd.s32 $0xFFFFFFFF  }
0xa5: {  	s4 =	sld [smem:$0x0]  }
0xa6: {  	s5 =	sand.u32 $0xFFFFFFFE, s1  }
0xa7: {  	p0 =	sne.s32 s1, s5  }
0xa8: {  	s5 =	sshll.u32 @p0 s5, $0xE  }
0xa9: {  	s5 =	sadd.s32 @p0 $0x11B8D, s5;
	s6 =	sshll.u32 @p0 s4, $0x11  }
0xaa: {  	s5 =	sor.u32 @p0 s6, s5  }
0xab: {  	[sflag:s5] =	ssyncadd.remote.s32 @p0 $0x1;
	_ =	sdelay $0x1  }
0xac: {  	s5 =	simm.s32 @p0 $0x1B8D  }
0xad: {  	_ =	swait.eq @p0 [sflag:s5], $0x1  }
0xae: {  	[sflag:s5] =	ssyncadd.s32 @p0 $0xFFFFFFFF  }
0xaf: {  	s6 =	sshll.u32 @!p0 s1, $0xE  }
0xb0: {  	s6 =	sor.u32 @!p0 $0x4000, s6;
	s5 =	simm.s32 @!p0 $0x1B8D  }
0xb1: {  	s4 =	sshll.u32 @!p0 s4, $0x11;
	s6 =	sadd.s32 @!p0 $0x11B8D, s6;
	_ =	swait.eq @!p0 [sflag:s5], $0x1  }
0xb2: {  	s4 =	sor.u32 @!p0 s4, s6;
	[sflag:s5] =	ssyncadd.s32 @!p0 $0xFFFFFFFF  }
0xb3: {  	s25 =	simm.s32 $0x1B8E;
	s24 =	sld [smem:$0x3FFE];
	[sflag:s4] =	ssyncadd.remote.s32 @!p0 $0x1  }
0xb4: {  	s26 =	simm.s32 $execute0_lowered;
	[smem:$0x3FD2] =	sst s25  }
0xb5: {  	s5 =	sshll.u32 s26, $0x1;
	_ =	strace $0x80000049;
	[dreg:$0x1] =	wrdreg $0xFFFFFFFF  }
0xb6: {  	s28 =	simm.s32 $_size_execute0_lowered;
	s3 =	sadd.s32 s3, s5;
	[dreg:$0x0] =	wrdreg $0x0  }
0xb7: {  	s5 =	sshll.u32 s28, $0x1;
	[dreg:$0x2] =	wrdreg s3  }
0xb8: {  	[dreg:$0x3] =	wrdreg s5  }
0xb9: {  	[dreg:$0x4] =	wrdreg $0xC0  }
0xba: {  	_ =	task [dreg:s22], $0x5FFFF  }
0xbb: {  	[dreg:$0x1] =	wrdreg $0xFFFFFFFF  }
0xbc: {  	[dreg:$0x0] =	wrdreg $0x60  }
0xbd: {  	[dreg:$0x2] =	wrdreg s24  }
0xbe: {  	[dreg:$0x3] =	wrdreg $0xA  }
0xbf: {  	_ =	task.clear_ibuf [dreg:s22], $0x4FFFF;
	_ =	strace $0x90000049  }
0xc0: {  	s29 =	simm.s32 $0xA;
	_ =	strace $0x8000004B  }
0xc1: {  	_ =	swait.ge [sflag:s29], $0x1  }
0xc2: {  	[sflag:s29] =	ssyncadd.s32 $0xFFFFFFFF  }
0xc3: {  	_ =	strace $0x9000004B  }
0xc4: {  	_ =	sfence  }
0xc5: {  	s30 =	sld [smem:$0x0];
	_ =	sdelay $0x2  }
0xc6: {  	s31 =	sshll.u32 s1, $0xD;
	s1 =	sshrl.u32 s1, $0x2  }
0xc7: {  	s4 =	sand.u32 $0x4000, s31;
	s1 =	sadd.s32 s1, s30  }
0xc8: {  	s0 =	sor.u32 s4, s0;
	s1 =	sshll.u32 s1, $0x11  }
0xc9: {  	s0 =	sor.u32 s1, s0  }
0xca: {  	s0 =	sadd.s32 $0x8F2B, s0  }
0xcb: {  	[sflag:s0] =	ssyncadd.remote.s32 $0x1  }
0xcc: {  	_ =	sfence.sel $0xFFFF  }
0xcd: {  	[dreg:$0x0] =	wrdreg $0xFFFFFFFF;
	(pc) =	sbr.abs _section_cstart, $3  }
0xce: {  	[dreg:$0x1] =	wrdreg $0xFFFFFFFF  }
0xcf: {  	_ =	task.clear_ibuf [dreg:s22], $0x2FFFF;
	_ =	strace $0x9FFFFFFF  }
0xd0: {  	(tm) =	ssettm $0x7FFFFFFF  }
0xd1: {  	_ =	shalt  }
tec
execute0_lowered:
.L_overlay_start_1:
0x0: {  	(tag) =	ssettag $0x1  }
0x1: {  	s1 =	srdreg.scid;
	s0 =	stileid.u32  }
0x2: {  	s1 =	sand.u32 $0x1, s1;
	s2 =	sshll.u32 s0, $0x1  }
0x3: {  	s2 =	sor.u32 s1, s2  }
0x4: {  	s3 =	smul.u32 $0x9600, s2  }
0x5: {  	s14 =	rddreg [dreg:$0x0];
	s2 =	simm.s32 $0x0  }
0x6: {  	s20 =	sadd.s32 $0x3A800, s14;
	[smem:$0x7FF] =	sst s2;
	s21 =	sshrl.u32 s3, $0x3  }
0x7: {  	_ =	strace $0x8000004A;
	s3 =	sadd.s32 s20, s21;
	s19 =	sadd.s32 $0x320, s21  }
0x8: {  	s23 =	sadd.s32 $0x640, s21;
	[dreg:$0x2] =	wrdreg s3;
	s17 =	sadd.s32 s20, s19  }
0x9: {  	s18 =	sadd.s32 s20, s23;
	[dreg:$0x3] =	wrdreg s17  }
0xa: {  	s26 =	sadd.s32 $0x960, s21;
	[dreg:$0x4] =	wrdreg s18  }
0xb: {  	s22 =	sadd.s32 s20, s26;
	s4 =	rddreg [dreg:$0x2]  }
0xc: {  	[dreg:$0x5] =	wrdreg s22  }
0xd: {  	[tilespmem:s2], [sflag:$0x1] =	stream.linear.gather [hbm4b:s4+s2], $0x1900, $0x38;
	[tilespmem:$0xC800] =	vst v63  }
0xe: {  	s3 =	simm.s32 $0x1900;
	s5 =	rddreg [dreg:$0x3]  }
0xf: {  	[tilespmem:s3], [sflag:$0x2] =	stream.linear.gather [hbm4b:s5+s2], $0x1900, $0x38;
	[tilespmem:$0xC800] =	vst v63  }
0x10: {  	s24 =	simm.s32 $0x3200;
	s6 =	rddreg [dreg:$0x4]  }
0x11: {  	[tilespmem:s24], [sflag:$0x3] =	stream.linear.gather [hbm4b:s6+s2], $0x1900, $0x38;
	[tilespmem:$0xC800] =	vst v63  }
0x12: {  	s25 =	simm.s32 $0x4B00;
	s7 =	rddreg [dreg:$0x5];
	s6 =	simm.s32 $0x1  }
0x13: {  	[tilespmem:s25], [sflag:$0x4] =	stream.linear.gather [hbm4b:s7+s2], $0x1900, $0x38;
	[tilespmem:$0xC800] =	vst v63  }
0x14: {  	_ =	swait.ge [sflag:s6], $0x1900  }
0x15: {  	s8 =	simm.s32 $0x6400;
	[sflag:s6] =	ssyncset.done $0x0  }
0x16: {  	s9 =	simm.s32 $0x2;
	s7 =	sadd.s32 $0xF600, s14;
	[sflag:s6] =	ssyncadd.s32 $0xFFFFE700  }
0x17: {  	[tilespmem:s8], [sflag:$0x9] =	stream.indirect.gather [hbm4b:s7+s3], $0x1, s2, s3, $0xb8;
	[tilespmem:$0xC800] =	vst v63  }
0x18: {  	_ =	swait.ge [sflag:s9], $0x1900  }
0x19: {  	[sflag:s9] =	ssyncset.done $0x0  }
0x1a: {  	s10 =	simm.s32 $0x7D00;
	s11 =	simm.s32 $0x3;
	[sflag:s9] =	ssyncadd.s32 $0xFFFFE700  }
0x1b: {  	[tilespmem:s10], [sflag:$0xA] =	stream.indirect.gather [hbm4b:s7+s3], $0x1, s3, s3, $0xb8;
	[tilespmem:$0xC800] =	vst v63  }
0x1c: {  	_ =	swait.ge [sflag:s11], $0x1900  }
0x1d: {  	[sflag:s11] =	ssyncset.done $0x0  }
0x1e: {  	s12 =	simm.s32 $0x9600;
	s13 =	simm.s32 $0x9;
	[sflag:s11] =	ssyncadd.s32 $0xFFFFE700  }
0x1f: {  	[tilespmem:s12], [sflag:$0xB] =	stream.indirect.gather [hbm4b:s7+s3], $0x1, s24, s3, $0xb8;
	[tilespmem:$0xC800] =	vst v63  }
0x20: {  	_ =	swait.ge [sflag:s13], $0x1900  }
0x21: {  	s29 =	sadd.s32 $0x60000, s14;
	[sflag:s13] =	ssyncset.done $0x0  }
0x22: {  	s28 =	sadd.s32 $0xC80, s21;
	s14 =	sadd.s32 s29, s21;
	[sflag:s13] =	ssyncadd.s32 $0xFFFFE700  }
0x23: {  	[hbm4b:s14+s2] =	stream.linear.scatter [tilespmem:s8], [sflag:$0x5], $0x1900, $0x38;
	[tilespmem:$0xC800] =	vst v63  }
0x24: {  	s16 =	simm.s32 $0x4;
	s15 =	sadd.s32 s20, s28  }
0x25: {  	[tilespmem:s2], [sflag:$0x1] =	stream.linear.gather [hbm4b:s15+s2], $0x1900, $0x38;
	[tilespmem:$0xC800] =	vst v63  }
0x26: {  	_ =	swait.ge [sflag:s16], $0x1900  }
0x27: {  	[sflag:s16] =	ssyncset.done $0x0  }
0x28: {  	s17 =	simm.s32 $0xAF00;
	s18 =	simm.s32 $0xA;
	[sflag:s16] =	ssyncadd.s32 $0xFFFFE700  }
0x29: {  	[tilespmem:s17], [sflag:$0xC] =	stream.indirect.gather [hbm4b:s7+s3], $0x1, s25, s3, $0xb8;
	[tilespmem:$0xC800] =	vst v63  }
0x2a: {  	_ =	swait.ge [sflag:s18], $0x1900  }
0x2b: {  	[sflag:s18] =	ssyncset.done $0x0  }
0x2c: {  	s30 =	sadd.s32 $0xFA0, s21;
	s19 =	sadd.s32 s29, s19;
	[sflag:s18] =	ssyncadd.s32 $0xFFFFE700  }
0x2d: {  	[hbm4b:s19+s2] =	stream.linear.scatter [tilespmem:s10], [sflag:$0x6], $0x1900, $0x38;
	[tilespmem:$0xC800] =	vst v63  }
0x2e: {  	s20 =	sadd.s32 s20, s30  }
0x2f: {  	[tilespmem:s3], [sflag:$0x2] =	stream.linear.gather [hbm4b:s20+s2], $0x1900, $0x38;
	[tilespmem:$0xC800] =	vst v63  }
0x30: {  	_ =	swait.ge [sflag:s6], $0x1900  }
0x31: {  	[sflag:s6] =	ssyncset.done $0x0  }
0x32: {  	s21 =	simm.s32 $0x5;
	[sflag:s6] =	ssyncadd.s32 $0xFFFFE700  }
0x33: {  	_ =	swait.ge [sflag:s21], $0x1900  }
0x34: {  	[sflag:s21] =	ssyncset.done $0x0  }
0x35: {  	s22 =	simm.s32 $0xB;
	[sflag:s21] =	ssyncadd.s32 $0xFFFFE700  }
0x36: {  	[tilespmem:s8], [sflag:$0x9] =	stream.indirect.gather [hbm4b:s7+s3], $0x1, s2, s3, $0xb8;
	[tilespmem:$0xC800] =	vst v63  }
0x37: {  	_ =	swait.ge [sflag:s22], $0x1900  }
0x38: {  	[sflag:s22] =	ssyncset.done $0x0  }
0x39: {  	s23 =	sadd.s32 s29, s23;
	[sflag:s22] =	ssyncadd.s32 $0xFFFFE700  }
0x3a: {  	[hbm4b:s23+s2] =	stream.linear.scatter [tilespmem:s12], [sflag:$0x7], $0x1900, $0x38;
	[tilespmem:$0xC800] =	vst v63  }
0x3b: {  	_ =	swait.ge [sflag:s9], $0x1900  }
0x3c: {  	[sflag:s9] =	ssyncset.done $0x0  }
0x3d: {  	s24 =	simm.s32 $0x6;
	[sflag:s9] =	ssyncadd.s32 $0xFFFFE700  }
0x3e: {  	_ =	swait.ge [sflag:s24], $0x1900  }
0x3f: {  	[sflag:s24] =	ssyncset.done $0x0  }
0x40: {  	s25 =	simm.s32 $0xC;
	[sflag:s24] =	ssyncadd.s32 $0xFFFFE700  }
0x41: {  	[tilespmem:s10], [sflag:$0xA] =	stream.indirect.gather [hbm4b:s7+s3], $0x1, s3, s3, $0xb8;
	[tilespmem:$0xC800] =	vst v63  }
0x42: {  	_ =	swait.ge [sflag:s25], $0x1900  }
0x43: {  	[sflag:s25] =	ssyncset.done $0x0  }
0x44: {  	s26 =	sadd.s32 s29, s26;
	[sflag:s25] =	ssyncadd.s32 $0xFFFFE700  }
0x45: {  	[hbm4b:s26+s2] =	stream.linear.scatter [tilespmem:s17], [sflag:$0x8], $0x1900, $0x38;
	[tilespmem:$0xC800] =	vst v63  }
0x46: {  	_ =	swait.ge [sflag:s13], $0x1900  }
0x47: {  	[sflag:s13] =	ssyncset.done $0x0  }
0x48: {  	s28 =	sadd.s32 s29, s28;
	[sflag:s13] =	ssyncadd.s32 $0xFFFFE700  }
0x49: {  	[hbm4b:s28+s2] =	stream.linear.scatter [tilespmem:s8], [sflag:$0x5], $0x1900, $0x38;
	[tilespmem:$0xC800] =	vst v63  }
0x4a: {  	_ =	swait.ge [sflag:s18], $0x1900  }
0x4b: {  	[sflag:s18] =	ssyncset.done $0x0  }
0x4c: {  	s29 =	sadd.s32 s29, s30;
	s30 =	simm.s32 $0x7;
	[sflag:s18] =	ssyncadd.s32 $0xFFFFE700  }
0x4d: {  	[hbm4b:s29+s2] =	stream.linear.scatter [tilespmem:s10], [sflag:$0x6], $0x1900, $0x38;
	[tilespmem:$0xC800] =	vst v63  }
0x4e: {  	s1 =	ssub.s32 $0x2, s1;
	_ =	swait.ge [sflag:s30], $0x1900  }
0x4f: {  	s5 =	sshrl.u32 s1, $0x1;
	[sflag:s30] =	ssyncset.done $0x0  }
0x50: {  	s31 =	simm.s32 $0x8;
	s0 =	ssub.s32 s1, s5;
	[sflag:s30] =	ssyncadd.s32 $0xFFFFE700  }
0x51: {  	s0 =	smax.u32 s0, $0x1;
	_ =	swait.ge [sflag:s31], $0x1900  }
0x52: {  	p0 =	sne.s32 s0, $0x1;
	[sflag:s31] =	ssyncset.done $0x0  }
.Ltmp0:
0x53: {  	[sflag:s31] =	ssyncadd.s32 $0xFFFFE700;
	(pc) =	sbr.rel @!p0 .LBB2_3-.Ltmp0, $4  }
0x54: {  	_ =	swait.ge [sflag:s21], $0x1900  }
0x55: {  	[sflag:s21] =	ssyncset.done $0x0  }
0x56: {  	[sflag:s21] =	ssyncadd.s32 $0xFFFFE700  }
0x57: {  	s1 =	sadd.s32 $0xFFFFFFFF, s0;
	_ =	swait.ge [sflag:s24], $0x1900  }
0x58: {  	s5 =	simm.s32 $0x3200  }
.LBB2_2:
0x59: {  	[sflag:s24] =	ssyncset.done $0x0  }
0x5a: {  	s0 =	rddreg [dreg:$0x2];
	[sflag:s24] =	ssyncadd.s32 $0xFFFFE700  }
0x5b: {  	[tilespmem:s2], [sflag:$0x1] =	stream.linear.gather [hbm4b:s0+s2], $0x1900, $0x38;
	[tilespmem:$0xC800] =	vst v63  }
0x5c: {  	s4 =	rddreg [dreg:$0x3]  }
0x5d: {  	[tilespmem:s3], [sflag:$0x2] =	stream.linear.gather [hbm4b:s4+s2], $0x1900, $0x38;
	[tilespmem:$0xC800] =	vst v63  }
0x5e: {  	s0 =	rddreg [dreg:$0x4]  }
0x5f: {  	[tilespmem:s5], [sflag:$0x3] =	stream.linear.gather [hbm4b:s0+s2], $0x1900, $0x38;
	[tilespmem:$0xC800] =	vst v63  }
0x60: {  	s4 =	rddreg [dreg:$0x5];
	s0 =	simm.s32 $0x4B00  }
0x61: {  	[tilespmem:s0], [sflag:$0x4] =	stream.linear.gather [hbm4b:s4+s2], $0x1900, $0x38;
	[tilespmem:$0xC800] =	vst v63  }
0x62: {  	_ =	swait.ge [sflag:s6], $0x1900  }
0x63: {  	[sflag:s6] =	ssyncset.done $0x0  }
0x64: {  	[sflag:s6] =	ssyncadd.s32 $0xFFFFE700  }
0x65: {  	[tilespmem:s8], [sflag:$0x9] =	stream.indirect.gather [hbm4b:s7+s3], $0x1, s2, s3, $0xb8;
	[tilespmem:$0xC800] =	vst v63  }
0x66: {  	_ =	swait.ge [sflag:s9], $0x1900  }
0x67: {  	[sflag:s9] =	ssyncset.done $0x0  }
0x68: {  	[sflag:s9] =	ssyncadd.s32 $0xFFFFE700  }
0x69: {  	[tilespmem:s10], [sflag:$0xA] =	stream.indirect.gather [hbm4b:s7+s3], $0x1, s3, s3, $0xb8;
	[tilespmem:$0xC800] =	vst v63  }
0x6a: {  	_ =	swait.ge [sflag:s11], $0x1900  }
0x6b: {  	[sflag:s11] =	ssyncset.done $0x0  }
0x6c: {  	[sflag:s11] =	ssyncadd.s32 $0xFFFFE700  }
0x6d: {  	[tilespmem:s12], [sflag:$0xB] =	stream.indirect.gather [hbm4b:s7+s3], $0x1, s5, s3, $0xb8;
	[tilespmem:$0xC800] =	vst v63  }
0x6e: {  	_ =	swait.ge [sflag:s13], $0x1900  }
0x6f: {  	[sflag:s13] =	ssyncset.done $0x0  }
0x70: {  	[sflag:s13] =	ssyncadd.s32 $0xFFFFE700  }
0x71: {  	[hbm4b:s14+s2] =	stream.linear.scatter [tilespmem:s8], [sflag:$0x5], $0x1900, $0x38;
	[tilespmem:$0xC800] =	vst v63  }
0x72: {  	_ = 	snop  }
0x73: {  	[tilespmem:s2], [sflag:$0x1] =	stream.linear.gather [hbm4b:s15+s2], $0x1900, $0x38;
	[tilespmem:$0xC800] =	vst v63  }
0x74: {  	_ =	swait.ge [sflag:s16], $0x1900  }
0x75: {  	[sflag:s16] =	ssyncset.done $0x0  }
0x76: {  	[sflag:s16] =	ssyncadd.s32 $0xFFFFE700  }
0x77: {  	[tilespmem:s17], [sflag:$0xC] =	stream.indirect.gather [hbm4b:s7+s3], $0x1, s0, s3, $0xb8;
	[tilespmem:$0xC800] =	vst v63  }
0x78: {  	_ =	swait.ge [sflag:s18], $0x1900  }
0x79: {  	[sflag:s18] =	ssyncset.done $0x0  }
0x7a: {  	[sflag:s18] =	ssyncadd.s32 $0xFFFFE700  }
0x7b: {  	[hbm4b:s19+s2] =	stream.linear.scatter [tilespmem:s10], [sflag:$0x6], $0x1900, $0x38;
	[tilespmem:$0xC800] =	vst v63  }
0x7c: {  	_ = 	snop  }
0x7d: {  	[tilespmem:s3], [sflag:$0x2] =	stream.linear.gather [hbm4b:s20+s2], $0x1900, $0x38;
	[tilespmem:$0xC800] =	vst v63  }
0x7e: {  	_ =	swait.ge [sflag:s6], $0x1900  }
0x7f: {  	[sflag:s6] =	ssyncset.done $0x0  }
0x80: {  	[sflag:s6] =	ssyncadd.s32 $0xFFFFE700  }
0x81: {  	_ =	swait.ge [sflag:s21], $0x1900  }
0x82: {  	[sflag:s21] =	ssyncset.done $0x0  }
0x83: {  	[sflag:s21] =	ssyncadd.s32 $0xFFFFE700  }
0x84: {  	[tilespmem:s8], [sflag:$0x9] =	stream.indirect.gather [hbm4b:s7+s3], $0x1, s2, s3, $0xb8;
	[tilespmem:$0xC800] =	vst v63  }
0x85: {  	_ =	swait.ge [sflag:s22], $0x1900  }
0x86: {  	[sflag:s22] =	ssyncset.done $0x0  }
0x87: {  	[sflag:s22] =	ssyncadd.s32 $0xFFFFE700  }
0x88: {  	[hbm4b:s23+s2] =	stream.linear.scatter [tilespmem:s12], [sflag:$0x7], $0x1900, $0x38;
	[tilespmem:$0xC800] =	vst v63  }
0x89: {  	_ =	swait.ge [sflag:s9], $0x1900  }
0x8a: {  	[sflag:s9] =	ssyncset.done $0x0  }
0x8b: {  	[sflag:s9] =	ssyncadd.s32 $0xFFFFE700  }
0x8c: {  	_ =	swait.ge [sflag:s24], $0x1900  }
0x8d: {  	[sflag:s24] =	ssyncset.done $0x0  }
0x8e: {  	[sflag:s24] =	ssyncadd.s32 $0xFFFFE700  }
0x8f: {  	[tilespmem:s10], [sflag:$0xA] =	stream.indirect.gather [hbm4b:s7+s3], $0x1, s3, s3, $0xb8;
	[tilespmem:$0xC800] =	vst v63  }
0x90: {  	_ =	swait.ge [sflag:s25], $0x1900  }
0x91: {  	[sflag:s25] =	ssyncset.done $0x0  }
0x92: {  	[sflag:s25] =	ssyncadd.s32 $0xFFFFE700  }
0x93: {  	[hbm4b:s26+s2] =	stream.linear.scatter [tilespmem:s17], [sflag:$0x8], $0x1900, $0x38;
	[tilespmem:$0xC800] =	vst v63  }
0x94: {  	_ =	swait.ge [sflag:s13], $0x1900  }
0x95: {  	[sflag:s13] =	ssyncset.done $0x0  }
0x96: {  	[sflag:s13] =	ssyncadd.s32 $0xFFFFE700  }
0x97: {  	[hbm4b:s28+s2] =	stream.linear.scatter [tilespmem:s8], [sflag:$0x5], $0x1900, $0x38;
	[tilespmem:$0xC800] =	vst v63  }
0x98: {  	_ =	swait.ge [sflag:s18], $0x1900  }
0x99: {  	[sflag:s18] =	ssyncset.done $0x0  }
0x9a: {  	[sflag:s18] =	ssyncadd.s32 $0xFFFFE700  }
0x9b: {  	[hbm4b:s29+s2] =	stream.linear.scatter [tilespmem:s10], [sflag:$0x6], $0x1900, $0x38;
	[tilespmem:$0xC800] =	vst v63  }
0x9c: {  	_ =	swait.ge [sflag:s30], $0x1900  }
0x9d: {  	[sflag:s30] =	ssyncset.done $0x0  }
0x9e: {  	[sflag:s30] =	ssyncadd.s32 $0xFFFFE700  }
0x9f: {  	_ =	swait.ge [sflag:s31], $0x1900  }
0xa0: {  	p0 =	sne.s32 s1, $0x1;
	[sflag:s31] =	ssyncset.done $0x0  }
.Ltmp1:
0xa1: {  	[sflag:s31] =	ssyncadd.s32 $0xFFFFE700;
	(pc) =	sbr.rel @p0 .LBB2_2-.Ltmp1, $4  }
0xa2: {  	_ =	swait.ge [sflag:s21], $0x1900  }
0xa3: {  	[sflag:s21] =	ssyncset.done $0x0  }
0xa4: {  	[sflag:s21] =	ssyncadd.s32 $0xFFFFE700  }
0xa5: {  	s1 =	sadd.s32 $0xFFFFFFFF, s1;
	_ =	swait.ge [sflag:s24], $0x1900  }
.LBB2_3:
0xa6: {  	[sflag:s24] =	ssyncset.done $0x0  }
0xa7: {  	[sflag:s24] =	ssyncadd.s32 $0xFFFFE700  }
0xa8: {  	_ =	sfence.sel $0x180000  }
0xa9: {  	[bflag:$0x0] =	sbarrier.arrive $0xFFFF  }
0xaa: {  	_ =	strace $0x9000004A  }
0xab: {  	s0 =	stileid.u32;
	[bflag:$0x2] =	sbarrier.arrive $0xFFFF  }
0xac: {  	p0 =	sne.s32 s0, $0x0;
	s0 =	rddreg [dreg:$0x1]  }
0xad: {  	s0 =	sadd.s32 @!p0 $0x100000, s0  }
0xae: {  	[sflag:s0] =	ssyncadd.tile.s32 @!p0 $0x1;
	_ =	shalt  }
.Lfunc_end2:
_tile_overlayer_lowered:
.L_overlay_start_2:
0xaf: {  	(tag) =	ssettag $0x2  }
0xb0: {  	s0 =	rddreg [dreg:$0x0];
	s2 =	stileid.u32  }
0xb1: {  	s1 =	rddreg [dreg:$0x1];
	p0 =	sne.s32 s2, $0x0  }
0xb2: {  	s3 =	rddreg [dreg:$0x2];
	[bflag:$0x3] =	sbarrier.arrive $0xFFFF;
	s2 =	simm.s32 @!p0 $0x1C0D  }
0xb3: {  	[timem:s3], [sflag:s2] =	dma.local @!p0 [hbm:s0], s1  }
0xb4: {  	s0 =	simm.s32 @!p0 $0xD  }
0xb5: {  	_ =	swait.ge @!p0 [sflag:s0], s1  }
0xb6: {  	s1 =	ssub.s32 @!p0 $0x0, s1;
	[sflag:s0] =	ssyncset.done @!p0 $0x0  }
0xb7: {  	[sflag:s0] =	ssyncadd.s32 @!p0 s1  }
0xb8: {  	[bflag:$0x3] =	sbarrier.arrive $0xFFFF  }
0xb9: {  	_ =	shalt  }

// kernel: kernel.16.cloned.1.call-start
scs
__scs_entry_jumppad:
0x0: {  	(pc) =	sbr.rel $0x88, $3  }
0x1: {  	(tag) =	ssettag $0x0;
	lr =	simm.s32 $0x1  }
0x2: {  	[smem:$0x3F9E] =	sst lr;
	_ =	strace $0xD0000000  }
0x3: {  	_ = 	snop  }
0x4: {  	_ = 	snop  }
0x5: {  	_ = 	snop  }
0x6: {  	_ = 	snop  }
0x7: {  	_ = 	snop  }
__scs_overlays_trampoline_lowered:
0x8: {  	[smem:$0x3FAD] =	sst s0  }
0x9: {  	[smem:$0x3FAE] =	sst s1  }
0xa: {  	[smem:$0x3FAF] =	sst s2  }
0xb: {  	[smem:$0x3FB0] =	sst s3  }
0xc: {  	[smem:$0x3FB1] =	sst s4  }
0xd: {  	[smem:$0x3FB2] =	sst s5  }
0xe: {  	[smem:$0x3FB3] =	sst s6  }
0xf: {  	[smem:$0x3FB4] =	sst s7  }
0x10: {  	[smem:$0x3FB5] =	sst s8  }
0x11: {  	[smem:$0x3FB6] =	sst s9;
	s0 =	simm.s32 @!p0 $0x0  }
0x12: {  	s1 =	sld [smem:$0x3F9C];
	s0 =	simm.s32 @p0 $0x1  }
0x13: {  	[smem:$0x3FB7] =	sst s0;
	s0 =	simm.s32 @!p1 $0x0  }
0x14: {  	s2 =	sld [smem:$0x3F9B];
	s0 =	simm.s32 @p1 $0x1  }
0x15: {  	[smem:$0x3FB8] =	sst s0;
	s0 =	simm.s32 @!p2 $0x0  }
0x16: {  	s3 =	sld [smem:$0x3FDB];
	s0 =	simm.s32 @p2 $0x1  }
0x17: {  	s4 =	simm.s32 $0x1BF5;
	[smem:$0x3FBA] =	sst s0  }
0x18: {  	s0 =	sld [smem:$0x3F9D];
	_ =	swait.ge [sflag:s4], $0x0  }
0x19: {  	s7 =	sld [smem:$0x3F9E]  }
0x1a: {  	s8 =	sadd.s32 $0xFFFFE003, lr  }
0x1b: {  	s9 =	sadd.s32 $0xFFFFFEF7, lr;
	s5 =	simm.s32 $0xFFFFFFFF;
	p2 =	slt.u32 s8, $0xFFFFF086  }
0x1c: {  	p1 =	slt.u32 s9, $0xF7A;
	s5 =	simm.s32 @!p2 $0x0  }
0x1d: {  	s5 =	simm.s32 @p1 $0x1;
	p0 =	seq.s32 s7, s2  }
0x1e: {  	s7 =	smul.u32 @!p0 $0xF7A, s2;
	p2 =	seq.s32 @!p0 s5, $0x0  }
0x1f: {  	s9 =	smul.u32 $0xF7A, s1;
	s8 =	simm.s32 @!p0 $0x1BF5;
	p2 =	por !p2, p0  }
0x20: {  	[sflag:s8] =	ssyncset.s32 @!p0 $0xFFFFF086;
	s6 =	sadd.s32 @!p0 s3, s7;
	s7 =	simm.s32 @!p0 $0x108  }
0x21: {  	s3 =	sadd.s32 s3, s9;
	s6 =	sadd.s32 @!p0 $0x88, s6;
	s7 =	simm.s32 @p2 $0x1082  }
0x22: {  	[simem:s7], [sflag:s8] =	dma.local @!p0 [hbm:s6], $0xF7A  }
0x23: {  	s9 =	sor.u32 $0xD0000000, s2;
	s6 =	simm.s32 $0x108;
	_ =	swait.ge @!p0 [sflag:s8], $0x0  }
0x24: {  	s3 =	sadd.s32 $0x88, s3;
	s6 =	simm.s32 @!p1 $0x1082;
	[sflag:s4] =	ssyncset.s32 $0xFFFFF086  }
0x25: {  	[simem:s6], [sflag:s4] =	dma.local [hbm:s3], $0xF7A  }
0x26: {  	[smem:$0x3F9E] =	sst s1;
	(tag) =	ssettag s2;
	_ =	strace s9  }
0x27: {  	s1 =	sld [smem:$0x3FAE]  }
0x28: {  	s2 =	sld [smem:$0x3FAF]  }
0x29: {  	s4 =	sld [smem:$0x3FB1]  }
0x2a: {  	p0 =	seq.s32 s5, $0x0;
	s5 =	sld [smem:$0x3FB2]  }
0x2b: {  	s6 =	sld [smem:$0x3FB3]  }
0x2c: {  	s7 =	sld [smem:$0x3FB4]  }
0x2d: {  	s3 =	simm.s32 $0x108;
	s8 =	sld [smem:$0x3FB5]  }
0x2e: {  	s3 =	simm.s32 @!p0 $0x1082;
	s9 =	sld [smem:$0x3FB6]  }
0x2f: {  	lr =	sadd.s32 s0, s3;
	s0 =	sld [smem:$0x3FAD]  }
0x30: {  	s3 =	sld [smem:$0x3FB0]  }
0x31: {  	[smem:$0x3FB9] =	sst s10  }
0x32: {  	s10 =	sld [smem:$0x3FB7];
	_ =	sdelay $0x3  }
0x33: {  	p0 =	seq.s32 s10, $0x1;
	s10 =	sld [smem:$0x3FB9];
	_ =	sdelay $0x3  }
0x34: {  	[smem:$0x3FB9] =	sst s10  }
0x35: {  	s10 =	sld [smem:$0x3FB8];
	_ =	sdelay $0x3  }
0x36: {  	p1 =	seq.s32 s10, $0x1;
	s10 =	sld [smem:$0x3FB9];
	_ =	sdelay $0x3  }
0x37: {  	[smem:$0x3FB9] =	sst s10  }
0x38: {  	s10 =	sld [smem:$0x3FBA]  }
0x39: {  	_ = 	snop;
	(pc) =	sbr.ind lr, $3  }
0x3a: {  	_ = 	snop  }
0x3b: {  	_ = 	snop  }
0x3c: {  	p2 =	seq.s32 s10, $0x1;
	s10 =	sld [smem:$0x3FB9]  }
0x3d: {  	_ =	shalt  }
0x3e: {  	_ =	shalt  }
0x3f: {  	_ =	shalt  }
0x40: {  	_ =	shalt  }
0x41: {  	_ =	shalt  }
0x42: {  	_ =	shalt  }
0x43: {  	_ =	shalt  }
0x44: {  	_ =	shalt  }
0x45: {  	_ =	shalt  }
0x46: {  	_ =	shalt  }
0x47: {  	_ =	shalt  }
0x48: {  	_ =	shalt  }
0x49: {  	_ =	shalt  }
0x4a: {  	_ =	shalt  }
0x4b: {  	_ =	shalt  }
0x4c: {  	_ =	shalt  }
0x4d: {  	_ =	shalt  }
0x4e: {  	_ =	shalt  }
0x4f: {  	_ =	shalt  }
0x50: {  	_ =	shalt  }
0x51: {  	_ =	shalt  }
0x52: {  	_ =	shalt  }
0x53: {  	_ =	shalt  }
0x54: {  	_ =	shalt  }
0x55: {  	_ =	shalt  }
0x56: {  	_ =	shalt  }
0x57: {  	_ =	shalt  }
0x58: {  	_ =	shalt  }
0x59: {  	_ =	shalt  }
0x5a: {  	_ =	shalt  }
0x5b: {  	_ =	shalt  }
0x5c: {  	_ =	shalt  }
0x5d: {  	_ =	shalt  }
0x5e: {  	_ =	shalt  }
0x5f: {  	_ =	shalt  }
0x60: {  	_ =	shalt  }
0x61: {  	_ =	shalt  }
0x62: {  	_ =	shalt  }
0x63: {  	_ =	shalt  }
0x64: {  	_ =	shalt  }
0x65: {  	_ =	shalt  }
0x66: {  	_ =	shalt  }
0x67: {  	_ =	shalt  }
0x68: {  	_ =	shalt  }
0x69: {  	_ =	shalt  }
0x6a: {  	_ =	shalt  }
0x6b: {  	_ =	shalt  }
0x6c: {  	_ =	shalt  }
0x6d: {  	_ =	shalt  }
0x6e: {  	_ =	shalt  }
0x6f: {  	_ =	shalt  }
0x70: {  	_ =	shalt  }
0x71: {  	_ =	shalt  }
0x72: {  	_ =	shalt  }
0x73: {  	_ =	shalt  }
0x74: {  	_ =	shalt  }
0x75: {  	_ =	shalt  }
0x76: {  	_ =	shalt  }
0x77: {  	_ =	shalt  }
0x78: {  	_ =	shalt  }
0x79: {  	_ =	shalt  }
0x7a: {  	_ =	shalt  }
0x7b: {  	_ =	shalt  }
0x7c: {  	_ =	shalt  }
0x7d: {  	_ =	shalt  }
0x7e: {  	_ =	shalt  }
0x7f: {  	_ =	shalt  }
0x80: {  	_ =	shalt  }
0x81: {  	_ =	shalt  }
0x82: {  	_ =	shalt  }
0x83: {  	_ =	shalt  }
0x84: {  	_ =	shalt  }
0x85: {  	_ =	shalt  }
0x86: {  	_ =	shalt  }
0x87: {  	_ =	shalt  }
.Lfunc_end0:
.L_simem_size_0:
called_computation.2_lowered:
.L_overlay_start_0:
0x88: {  	s2 =	sld [smem:$0x3FD9]  }
0x89: {  	s3 =	sld [smem:$0x3FFE];
	_ =	sdelay $0x1  }
0x8a: {  	s1 =	srdreg.scid  }
0x8b: {  	s0 =	sand.u32 $0x1, s1  }
0x8c: {  	s17 =	sshll.u32 s0, $0xA;
	s2 =	sadd.s32 s3, s2  }
0x8d: {  	s2 =	sadd.s32 s2, s17  }
0x8e: {  	[smem:$0x3FC5] =	sst s2  }
0x8f: {  	_ = 	snop  }
0x90: {  	s18 =	sld [smem:$0x3FD0];
	(tm) =	ssettm $0x1  }
0x91: {  	s19 =	sld [smem:$0x3FFB];
	_ =	sdelay $0x3  }
0x92: {  	_ =	strace s19  }
0x93: {  	s2 =	sld [smem:$0x3FFC];
	_ =	sdelay $0x3  }
0x94: {  	_ =	strace s2  }
0x95: {  	s2 =	sld [smem:$0x3FFD];
	_ =	sdelay $0x3  }
0x96: {  	_ =	strace s2  }
0x97: {  	_ =	strace $0x8FFFFFFF  }
0x98: {  	s20 =	sld [smem:$0x3FDB];
	_ =	sdelay $0x1  }
0x99: {  	s4 =	simm.s32 $_scs_section_size  }
0x9a: {  	s5 =	simm.s32 $_size__tile_overlayer_lowered;
	s6 =	simm.s32 $_tile_overlayer_lowered  }
0x9b: {  	s7 =	simm.s32 $0x1BFF;
	s21 =	sshll.u32 s6, $0x1;
	s4 =	sadd.s32 s4, s20  }
0x9c: {  	s22 =	simm.s32 $0x0;
	s5 =	sshll.u32 s5, $0x1;
	s6 =	sadd.s32 s21, s4  }
0x9d: {  	[timem:s22], [sflag:s7] =	dma.local [hbm:s6], s5  }
0x9e: {  	_ =	swait.ge [sflag:s7], s5  }
0x9f: {  	s5 =	ssub.s32 $0x0, s5;
	[sflag:s7] =	ssyncset.done $0x0  }
0xa0: {  	[sflag:s7] =	ssyncadd.s32 s5;
	_ =	sdelay $0x1  }
0xa1: {  	s23 =	simm.s32 $0x1B8B  }
0xa2: {  	_ =	swait.ge [sflag:s23], $0x1  }
0xa3: {  	[sflag:s23] =	ssyncset.done $0x0  }
0xa4: {  	[sflag:s23] =	ssyncadd.s32 $0xFFFFFFFF  }
0xa5: {  	s5 =	sld [smem:$0x0]  }
0xa6: {  	s6 =	sand.u32 $0xFFFFFFFE, s1  }
0xa7: {  	p0 =	sne.s32 s1, s6  }
0xa8: {  	s6 =	sshll.u32 @p0 s6, $0xE  }
0xa9: {  	s6 =	sadd.s32 @p0 $0x11B8D, s6;
	s7 =	sshll.u32 @p0 s5, $0x11  }
0xaa: {  	s6 =	sor.u32 @p0 s7, s6  }
0xab: {  	[sflag:s6] =	ssyncadd.remote.s32 @p0 $0x1;
	_ =	sdelay $0x1  }
0xac: {  	s6 =	simm.s32 @p0 $0x1B8D  }
0xad: {  	_ =	swait.eq @p0 [sflag:s6], $0x1  }
0xae: {  	[sflag:s6] =	ssyncadd.s32 @p0 $0xFFFFFFFF  }
0xaf: {  	s7 =	sshll.u32 @!p0 s1, $0xE  }
0xb0: {  	s7 =	sor.u32 @!p0 $0x4000, s7;
	s6 =	simm.s32 @!p0 $0x1B8D  }
0xb1: {  	s5 =	sshll.u32 @!p0 s5, $0x11;
	s7 =	sadd.s32 @!p0 $0x11B8D, s7;
	_ =	swait.eq @!p0 [sflag:s6], $0x1  }
0xb2: {  	s5 =	sor.u32 @!p0 s5, s7;
	[sflag:s6] =	ssyncadd.s32 @!p0 $0xFFFFFFFF  }
0xb3: {  	s25 =	simm.s32 $0x1B8E;
	s24 =	sld [smem:$0x3FFE];
	[sflag:s5] =	ssyncadd.remote.s32 @!p0 $0x1  }
0xb4: {  	s26 =	simm.s32 $execute0_lowered;
	[smem:$0x3FD2] =	sst s25  }
0xb5: {  	s6 =	sshll.u32 s26, $0x1;
	_ =	strace $0x8000004C;
	[dreg:$0x1] =	wrdreg $0xFFFFFFFF  }
0xb6: {  	s28 =	simm.s32 $_size_execute0_lowered;
	s4 =	sadd.s32 s4, s6;
	[dreg:$0x0] =	wrdreg $0x0  }
0xb7: {  	s6 =	sshll.u32 s28, $0x1;
	[dreg:$0x2] =	wrdreg s4  }
0xb8: {  	[dreg:$0x3] =	wrdreg s6  }
0xb9: {  	[dreg:$0x4] =	wrdreg $0xC0  }
0xba: {  	_ =	task [dreg:s22], $0x5FFFF  }
0xbb: {  	[dreg:$0x1] =	wrdreg $0xFFFFFFFF  }
0xbc: {  	[dreg:$0x0] =	wrdreg $0x60  }
0xbd: {  	[dreg:$0x2] =	wrdreg s18  }
0xbe: {  	[dreg:$0x3] =	wrdreg s24  }
0xbf: {  	[dreg:$0x4] =	wrdreg $0xB  }
0xc0: {  	_ =	task.clear_ibuf [dreg:s22], $0x5FFFF;
	_ =	strace $0x9000004C  }
0xc1: {  	s29 =	simm.s32 $0xB;
	_ =	strace $0x8000004E  }
0xc2: {  	_ =	swait.ge [sflag:s29], $0x1  }
0xc3: {  	[sflag:s29] =	ssyncadd.s32 $0xFFFFFFFF  }
0xc4: {  	_ =	strace $0x9000004E  }
0xc5: {  	_ =	sfence  }
0xc6: {  	s30 =	sld [smem:$0x0];
	_ =	sdelay $0x2  }
0xc7: {  	s31 =	sshll.u32 s1, $0xD;
	s1 =	sshrl.u32 s1, $0x2  }
0xc8: {  	s4 =	sand.u32 $0x4000, s31;
	s1 =	sadd.s32 s1, s30  }
0xc9: {  	s0 =	sor.u32 s4, s0;
	s1 =	sshll.u32 s1, $0x11  }
0xca: {  	s0 =	sor.u32 s1, s0  }
0xcb: {  	s0 =	sadd.s32 $0x8F2B, s0  }
0xcc: {  	[sflag:s0] =	ssyncadd.remote.s32 $0x1  }
0xcd: {  	_ =	sfence.sel $0xFFFF  }
0xce: {  	[dreg:$0x0] =	wrdreg $0xFFFFFFFF;
	(pc) =	sbr.abs _section_cstart, $3  }
0xcf: {  	[dreg:$0x1] =	wrdreg $0xFFFFFFFF  }
0xd0: {  	_ =	task.clear_ibuf [dreg:s22], $0x2FFFF;
	_ =	strace $0x9FFFFFFF  }
0xd1: {  	(tm) =	ssettm $0x7FFFFFFF  }
tec
execute0_lowered:
.L_overlay_start_1:
0x0: {  	(tag) =	ssettag $0x1  }
0x1: {  	s1 =	srdreg.scid;
	s0 =	stileid.u32  }
0x2: {  	s1 =	sand.u32 $0x1, s1;
	s2 =	sshll.u32 s0, $0x1  }
0x3: {  	s2 =	sor.u32 s1, s2  }
0x4: {  	s20 =	rddreg [dreg:$0x0];
	s3 =	smul.u32 $0x9600, s2  }
0x5: {  	s14 =	rddreg [dreg:$0x1];
	s2 =	simm.s32 $0x0  }
0x6: {  	[smem:$0x7FF] =	sst s2;
	s21 =	sshrl.u32 s3, $0x3  }
0x7: {  	_ =	strace $0x8000004D;
	s3 =	sadd.s32 s20, s21;
	s19 =	sadd.s32 $0x320, s21  }
0x8: {  	s23 =	sadd.s32 $0x640, s21;
	[dreg:$0x3] =	wrdreg s3;
	s17 =	sadd.s32 s20, s19  }
0x9: {  	s18 =	sadd.s32 s20, s23;
	[dreg:$0x4] =	wrdreg s17  }
0xa: {  	s26 =	sadd.s32 $0x960, s21;
	[dreg:$0x5] =	wrdreg s18  }
0xb: {  	s22 =	sadd.s32 s20, s26;
	s4 =	rddreg [dreg:$0x3]  }
0xc: {  	[dreg:$0x6] =	wrdreg s22  }
0xd: {  	[tilespmem:s2], [sflag:$0x1] =	stream.linear.gather [hbm4b:s4+s2], $0x1900, $0x38;
	[tilespmem:$0xC800] =	vst v63  }
0xe: {  	s3 =	simm.s32 $0x1900;
	s5 =	rddreg [dreg:$0x4]  }
0xf: {  	[tilespmem:s3], [sflag:$0x2] =	stream.linear.gather [hbm4b:s5+s2], $0x1900, $0x38;
	[tilespmem:$0xC800] =	vst v63  }
0x10: {  	s24 =	simm.s32 $0x3200;
	s6 =	rddreg [dreg:$0x5]  }
0x11: {  	[tilespmem:s24], [sflag:$0x3] =	stream.linear.gather [hbm4b:s6+s2], $0x1900, $0x38;
	[tilespmem:$0xC800] =	vst v63  }
0x12: {  	s25 =	simm.s32 $0x4B00;
	s7 =	rddreg [dreg:$0x6];
	s6 =	simm.s32 $0x1  }
0x13: {  	[tilespmem:s25], [sflag:$0x4] =	stream.linear.gather [hbm4b:s7+s2], $0x1900, $0x38;
	[tilespmem:$0xC800] =	vst v63  }
0x14: {  	_ =	swait.ge [sflag:s6], $0x1900  }
0x15: {  	s8 =	simm.s32 $0x6400;
	[sflag:s6] =	ssyncset.done $0x0  }
0x16: {  	s9 =	simm.s32 $0x2;
	s7 =	sadd.s32 $0xF600, s14;
	[sflag:s6] =	ssyncadd.s32 $0xFFFFE700  }
0x17: {  	[tilespmem:s8], [sflag:$0x9] =	stream.indirect.gather [hbm4b:s7+s3], $0x1, s2, s3, $0xb8;
	[tilespmem:$0xC800] =	vst v63  }
0x18: {  	_ =	swait.ge [sflag:s9], $0x1900  }
0x19: {  	[sflag:s9] =	ssyncset.done $0x0  }
0x1a: {  	s10 =	simm.s32 $0x7D00;
	s11 =	simm.s32 $0x3;
	[sflag:s9] =	ssyncadd.s32 $0xFFFFE700  }
0x1b: {  	[tilespmem:s10], [sflag:$0xA] =	stream.indirect.gather [hbm4b:s7+s3], $0x1, s3, s3, $0xb8;
	[tilespmem:$0xC800] =	vst v63  }
0x1c: {  	_ =	swait.ge [sflag:s11], $0x1900  }
0x1d: {  	[sflag:s11] =	ssyncset.done $0x0  }
0x1e: {  	s12 =	simm.s32 $0x9600;
	s13 =	simm.s32 $0x9;
	[sflag:s11] =	ssyncadd.s32 $0xFFFFE700  }
0x1f: {  	[tilespmem:s12], [sflag:$0xB] =	stream.indirect.gather [hbm4b:s7+s3], $0x1, s24, s3, $0xb8;
	[tilespmem:$0xC800] =	vst v63  }
0x20: {  	_ =	swait.ge [sflag:s13], $0x1900  }
0x21: {  	s29 =	sadd.s32 $0x85800, s14;
	[sflag:s13] =	ssyncset.done $0x0  }
0x22: {  	s28 =	sadd.s32 $0xC80, s21;
	s14 =	sadd.s32 s29, s21;
	[sflag:s13] =	ssyncadd.s32 $0xFFFFE700  }
0x23: {  	[hbm4b:s14+s2] =	stream.linear.scatter [tilespmem:s8], [sflag:$0x5], $0x1900, $0x38;
	[tilespmem:$0xC800] =	vst v63  }
0x24: {  	s16 =	simm.s32 $0x4;
	s15 =	sadd.s32 s20, s28  }
0x25: {  	[tilespmem:s2], [sflag:$0x1] =	stream.linear.gather [hbm4b:s15+s2], $0x1900, $0x38;
	[tilespmem:$0xC800] =	vst v63  }
0x26: {  	_ =	swait.ge [sflag:s16], $0x1900  }
0x27: {  	[sflag:s16] =	ssyncset.done $0x0  }
0x28: {  	s17 =	simm.s32 $0xAF00;
	s18 =	simm.s32 $0xA;
	[sflag:s16] =	ssyncadd.s32 $0xFFFFE700  }
0x29: {  	[tilespmem:s17], [sflag:$0xC] =	stream.indirect.gather [hbm4b:s7+s3], $0x1, s25, s3, $0xb8;
	[tilespmem:$0xC800] =	vst v63  }
0x2a: {  	_ =	swait.ge [sflag:s18], $0x1900  }
0x2b: {  	[sflag:s18] =	ssyncset.done $0x0  }
0x2c: {  	s30 =	sadd.s32 $0xFA0, s21;
	s19 =	sadd.s32 s29, s19;
	[sflag:s18] =	ssyncadd.s32 $0xFFFFE700  }
0x2d: {  	[hbm4b:s19+s2] =	stream.linear.scatter [tilespmem:s10], [sflag:$0x6], $0x1900, $0x38;
	[tilespmem:$0xC800] =	vst v63  }
0x2e: {  	s20 =	sadd.s32 s20, s30  }
0x2f: {  	[tilespmem:s3], [sflag:$0x2] =	stream.linear.gather [hbm4b:s20+s2], $0x1900, $0x38;
	[tilespmem:$0xC800] =	vst v63  }
0x30: {  	_ =	swait.ge [sflag:s6], $0x1900  }
0x31: {  	[sflag:s6] =	ssyncset.done $0x0  }
0x32: {  	s21 =	simm.s32 $0x5;
	[sflag:s6] =	ssyncadd.s32 $0xFFFFE700  }
0x33: {  	_ =	swait.ge [sflag:s21], $0x1900  }
0x34: {  	[sflag:s21] =	ssyncset.done $0x0  }
0x35: {  	s22 =	simm.s32 $0xB;
	[sflag:s21] =	ssyncadd.s32 $0xFFFFE700  }
0x36: {  	[tilespmem:s8], [sflag:$0x9] =	stream.indirect.gather [hbm4b:s7+s3], $0x1, s2, s3, $0xb8;
	[tilespmem:$0xC800] =	vst v63  }
0x37: {  	_ =	swait.ge [sflag:s22], $0x1900  }
0x38: {  	[sflag:s22] =	ssyncset.done $0x0  }
0x39: {  	s23 =	sadd.s32 s29, s23;
	[sflag:s22] =	ssyncadd.s32 $0xFFFFE700  }
0x3a: {  	[hbm4b:s23+s2] =	stream.linear.scatter [tilespmem:s12], [sflag:$0x7], $0x1900, $0x38;
	[tilespmem:$0xC800] =	vst v63  }
0x3b: {  	_ =	swait.ge [sflag:s9], $0x1900  }
0x3c: {  	[sflag:s9] =	ssyncset.done $0x0  }
0x3d: {  	s24 =	simm.s32 $0x6;
	[sflag:s9] =	ssyncadd.s32 $0xFFFFE700  }
0x3e: {  	_ =	swait.ge [sflag:s24], $0x1900  }
0x3f: {  	[sflag:s24] =	ssyncset.done $0x0  }
0x40: {  	s25 =	simm.s32 $0xC;
	[sflag:s24] =	ssyncadd.s32 $0xFFFFE700  }
0x41: {  	[tilespmem:s10], [sflag:$0xA] =	stream.indirect.gather [hbm4b:s7+s3], $0x1, s3, s3, $0xb8;
	[tilespmem:$0xC800] =	vst v63  }
0x42: {  	_ =	swait.ge [sflag:s25], $0x1900  }
0x43: {  	[sflag:s25] =	ssyncset.done $0x0  }
0x44: {  	s26 =	sadd.s32 s29, s26;
	[sflag:s25] =	ssyncadd.s32 $0xFFFFE700  }
0x45: {  	[hbm4b:s26+s2] =	stream.linear.scatter [tilespmem:s17], [sflag:$0x8], $0x1900, $0x38;
	[tilespmem:$0xC800] =	vst v63  }
0x46: {  	_ =	swait.ge [sflag:s13], $0x1900  }
0x47: {  	[sflag:s13] =	ssyncset.done $0x0  }
0x48: {  	s28 =	sadd.s32 s29, s28;
	[sflag:s13] =	ssyncadd.s32 $0xFFFFE700  }
0x49: {  	[hbm4b:s28+s2] =	stream.linear.scatter [tilespmem:s8], [sflag:$0x5], $0x1900, $0x38;
	[tilespmem:$0xC800] =	vst v63  }
0x4a: {  	_ =	swait.ge [sflag:s18], $0x1900  }
0x4b: {  	[sflag:s18] =	ssyncset.done $0x0  }
0x4c: {  	s29 =	sadd.s32 s29, s30;
	s30 =	simm.s32 $0x7;
	[sflag:s18] =	ssyncadd.s32 $0xFFFFE700  }
0x4d: {  	[hbm4b:s29+s2] =	stream.linear.scatter [tilespmem:s10], [sflag:$0x6], $0x1900, $0x38;
	[tilespmem:$0xC800] =	vst v63  }
0x4e: {  	s1 =	ssub.s32 $0x2, s1;
	_ =	swait.ge [sflag:s30], $0x1900  }
0x4f: {  	s5 =	sshrl.u32 s1, $0x1;
	[sflag:s30] =	ssyncset.done $0x0  }
0x50: {  	s31 =	simm.s32 $0x8;
	s0 =	ssub.s32 s1, s5;
	[sflag:s30] =	ssyncadd.s32 $0xFFFFE700  }
0x51: {  	s0 =	smax.u32 s0, $0x1;
	_ =	swait.ge [sflag:s31], $0x1900  }
0x52: {  	p0 =	sne.s32 s0, $0x1;
	[sflag:s31] =	ssyncset.done $0x0  }
.Ltmp0:
0x53: {  	[sflag:s31] =	ssyncadd.s32 $0xFFFFE700;
	(pc) =	sbr.rel @!p0 .LBB2_3-.Ltmp0, $4  }
0x54: {  	_ =	swait.ge [sflag:s21], $0x1900  }
0x55: {  	[sflag:s21] =	ssyncset.done $0x0  }
0x56: {  	[sflag:s21] =	ssyncadd.s32 $0xFFFFE700  }
0x57: {  	s1 =	sadd.s32 $0xFFFFFFFF, s0;
	_ =	swait.ge [sflag:s24], $0x1900  }
0x58: {  	s5 =	simm.s32 $0x3200  }
.LBB2_2:
0x59: {  	[sflag:s24] =	ssyncset.done $0x0  }
0x5a: {  	s0 =	rddreg [dreg:$0x3];
	[sflag:s24] =	ssyncadd.s32 $0xFFFFE700  }
0x5b: {  	[tilespmem:s2], [sflag:$0x1] =	stream.linear.gather [hbm4b:s0+s2], $0x1900, $0x38;
	[tilespmem:$0xC800] =	vst v63  }
0x5c: {  	s4 =	rddreg [dreg:$0x4]  }
0x5d: {  	[tilespmem:s3], [sflag:$0x2] =	stream.linear.gather [hbm4b:s4+s2], $0x1900, $0x38;
	[tilespmem:$0xC800] =	vst v63  }
0x5e: {  	s0 =	rddreg [dreg:$0x5]  }
0x5f: {  	[tilespmem:s5], [sflag:$0x3] =	stream.linear.gather [hbm4b:s0+s2], $0x1900, $0x38;
	[tilespmem:$0xC800] =	vst v63  }
0x60: {  	s4 =	rddreg [dreg:$0x6];
	s0 =	simm.s32 $0x4B00  }
0x61: {  	[tilespmem:s0], [sflag:$0x4] =	stream.linear.gather [hbm4b:s4+s2], $0x1900, $0x38;
	[tilespmem:$0xC800] =	vst v63  }
0x62: {  	_ =	swait.ge [sflag:s6], $0x1900  }
0x63: {  	[sflag:s6] =	ssyncset.done $0x0  }
0x64: {  	[sflag:s6] =	ssyncadd.s32 $0xFFFFE700  }
0x65: {  	[tilespmem:s8], [sflag:$0x9] =	stream.indirect.gather [hbm4b:s7+s3], $0x1, s2, s3, $0xb8;
	[tilespmem:$0xC800] =	vst v63  }
0x66: {  	_ =	swait.ge [sflag:s9], $0x1900  }
0x67: {  	[sflag:s9] =	ssyncset.done $0x0  }
0x68: {  	[sflag:s9] =	ssyncadd.s32 $0xFFFFE700  }
0x69: {  	[tilespmem:s10], [sflag:$0xA] =	stream.indirect.gather [hbm4b:s7+s3], $0x1, s3, s3, $0xb8;
	[tilespmem:$0xC800] =	vst v63  }
0x6a: {  	_ =	swait.ge [sflag:s11], $0x1900  }
0x6b: {  	[sflag:s11] =	ssyncset.done $0x0  }
0x6c: {  	[sflag:s11] =	ssyncadd.s32 $0xFFFFE700  }
0x6d: {  	[tilespmem:s12], [sflag:$0xB] =	stream.indirect.gather [hbm4b:s7+s3], $0x1, s5, s3, $0xb8;
	[tilespmem:$0xC800] =	vst v63  }
0x6e: {  	_ =	swait.ge [sflag:s13], $0x1900  }
0x6f: {  	[sflag:s13] =	ssyncset.done $0x0  }
0x70: {  	[sflag:s13] =	ssyncadd.s32 $0xFFFFE700  }
0x71: {  	[hbm4b:s14+s2] =	stream.linear.scatter [tilespmem:s8], [sflag:$0x5], $0x1900, $0x38;
	[tilespmem:$0xC800] =	vst v63  }
0x72: {  	_ = 	snop  }
0x73: {  	[tilespmem:s2], [sflag:$0x1] =	stream.linear.gather [hbm4b:s15+s2], $0x1900, $0x38;
	[tilespmem:$0xC800] =	vst v63  }
0x74: {  	_ =	swait.ge [sflag:s16], $0x1900  }
0x75: {  	[sflag:s16] =	ssyncset.done $0x0  }
0x76: {  	[sflag:s16] =	ssyncadd.s32 $0xFFFFE700  }
0x77: {  	[tilespmem:s17], [sflag:$0xC] =	stream.indirect.gather [hbm4b:s7+s3], $0x1, s0, s3, $0xb8;
	[tilespmem:$0xC800] =	vst v63  }
0x78: {  	_ =	swait.ge [sflag:s18], $0x1900  }
0x79: {  	[sflag:s18] =	ssyncset.done $0x0  }
0x7a: {  	[sflag:s18] =	ssyncadd.s32 $0xFFFFE700  }
0x7b: {  	[hbm4b:s19+s2] =	stream.linear.scatter [tilespmem:s10], [sflag:$0x6], $0x1900, $0x38;
	[tilespmem:$0xC800] =	vst v63  }
0x7c: {  	_ = 	snop  }
0x7d: {  	[tilespmem:s3], [sflag:$0x2] =	stream.linear.gather [hbm4b:s20+s2], $0x1900, $0x38;
	[tilespmem:$0xC800] =	vst v63  }
0x7e: {  	_ =	swait.ge [sflag:s6], $0x1900  }
0x7f: {  	[sflag:s6] =	ssyncset.done $0x0  }
0x80: {  	[sflag:s6] =	ssyncadd.s32 $0xFFFFE700  }
0x81: {  	_ =	swait.ge [sflag:s21], $0x1900  }
0x82: {  	[sflag:s21] =	ssyncset.done $0x0  }
0x83: {  	[sflag:s21] =	ssyncadd.s32 $0xFFFFE700  }
0x84: {  	[tilespmem:s8], [sflag:$0x9] =	stream.indirect.gather [hbm4b:s7+s3], $0x1, s2, s3, $0xb8;
	[tilespmem:$0xC800] =	vst v63  }
0x85: {  	_ =	swait.ge [sflag:s22], $0x1900  }
0x86: {  	[sflag:s22] =	ssyncset.done $0x0  }
0x87: {  	[sflag:s22] =	ssyncadd.s32 $0xFFFFE700  }
0x88: {  	[hbm4b:s23+s2] =	stream.linear.scatter [tilespmem:s12], [sflag:$0x7], $0x1900, $0x38;
	[tilespmem:$0xC800] =	vst v63  }
0x89: {  	_ =	swait.ge [sflag:s9], $0x1900  }
0x8a: {  	[sflag:s9] =	ssyncset.done $0x0  }
0x8b: {  	[sflag:s9] =	ssyncadd.s32 $0xFFFFE700  }
0x8c: {  	_ =	swait.ge [sflag:s24], $0x1900  }
0x8d: {  	[sflag:s24] =	ssyncset.done $0x0  }
0x8e: {  	[sflag:s24] =	ssyncadd.s32 $0xFFFFE700  }
0x8f: {  	[tilespmem:s10], [sflag:$0xA] =	stream.indirect.gather [hbm4b:s7+s3], $0x1, s3, s3, $0xb8;
	[tilespmem:$0xC800] =	vst v63  }
0x90: {  	_ =	swait.ge [sflag:s25], $0x1900  }
0x91: {  	[sflag:s25] =	ssyncset.done $0x0  }
0x92: {  	[sflag:s25] =	ssyncadd.s32 $0xFFFFE700  }
0x93: {  	[hbm4b:s26+s2] =	stream.linear.scatter [tilespmem:s17], [sflag:$0x8], $0x1900, $0x38;
	[tilespmem:$0xC800] =	vst v63  }
0x94: {  	_ =	swait.ge [sflag:s13], $0x1900  }
0x95: {  	[sflag:s13] =	ssyncset.done $0x0  }
0x96: {  	[sflag:s13] =	ssyncadd.s32 $0xFFFFE700  }
0x97: {  	[hbm4b:s28+s2] =	stream.linear.scatter [tilespmem:s8], [sflag:$0x5], $0x1900, $0x38;
	[tilespmem:$0xC800] =	vst v63  }
0x98: {  	_ =	swait.ge [sflag:s18], $0x1900  }
0x99: {  	[sflag:s18] =	ssyncset.done $0x0  }
0x9a: {  	[sflag:s18] =	ssyncadd.s32 $0xFFFFE700  }
0x9b: {  	[hbm4b:s29+s2] =	stream.linear.scatter [tilespmem:s10], [sflag:$0x6], $0x1900, $0x38;
	[tilespmem:$0xC800] =	vst v63  }
0x9c: {  	_ =	swait.ge [sflag:s30], $0x1900  }
0x9d: {  	[sflag:s30] =	ssyncset.done $0x0  }
0x9e: {  	[sflag:s30] =	ssyncadd.s32 $0xFFFFE700  }
0x9f: {  	_ =	swait.ge [sflag:s31], $0x1900  }
0xa0: {  	p0 =	sne.s32 s1, $0x1;
	[sflag:s31] =	ssyncset.done $0x0  }
.Ltmp1:
0xa1: {  	[sflag:s31] =	ssyncadd.s32 $0xFFFFE700;
	(pc) =	sbr.rel @p0 .LBB2_2-.Ltmp1, $4  }
0xa2: {  	_ =	swait.ge [sflag:s21], $0x1900  }
0xa3: {  	[sflag:s21] =	ssyncset.done $0x0  }
0xa4: {  	[sflag:s21] =	ssyncadd.s32 $0xFFFFE700  }
0xa5: {  	s1 =	sadd.s32 $0xFFFFFFFF, s1;
	_ =	swait.ge [sflag:s24], $0x1900  }
.LBB2_3:
0xa6: {  	[sflag:s24] =	ssyncset.done $0x0  }
0xa7: {  	[sflag:s24] =	ssyncadd.s32 $0xFFFFE700  }
0xa8: {  	_ =	sfence.sel $0x180000  }
0xa9: {  	[bflag:$0x0] =	sbarrier.arrive $0xFFFF  }
0xaa: {  	_ =	strace $0x9000004D  }
0xab: {  	s0 =	stileid.u32;
	[bflag:$0x2] =	sbarrier.arrive $0xFFFF  }
0xac: {  	p0 =	sne.s32 s0, $0x0;
	s0 =	rddreg [dreg:$0x2]  }
0xad: {  	s0 =	sadd.s32 @!p0 $0x100000, s0  }
0xae: {  	[sflag:s0] =	ssyncadd.tile.s32 @!p0 $0x1;
	_ =	shalt  }
.Lfunc_end2:
_tile_overlayer_lowered:
.L_overlay_start_2:
0xaf: {  	(tag) =	ssettag $0x2  }
0xb0: {  	s0 =	rddreg [dreg:$0x0];
	s2 =	stileid.u32  }
0xb1: {  	s1 =	rddreg [dreg:$0x1];
	p0 =	sne.s32 s2, $0x0  }
0xb2: {  	s3 =	rddreg [dreg:$0x2];
	[bflag:$0x3] =	sbarrier.arrive $0xFFFF;
	s2 =	simm.s32 @!p0 $0x1C0D  }
0xb3: {  	[timem:s3], [sflag:s2] =	dma.local @!p0 [hbm:s0], s1  }
0xb4: {  	s0 =	simm.s32 @!p0 $0xD  }
0xb5: {  	_ =	swait.ge @!p0 [sflag:s0], s1  }
0xb6: {  	s1 =	ssub.s32 @!p0 $0x0, s1;
	[sflag:s0] =	ssyncset.done @!p0 $0x0  }
0xb7: {  	[sflag:s0] =	ssyncadd.s32 @!p0 s1  }
0xb8: {  	[bflag:$0x3] =	sbarrier.arrive $0xFFFF  }
0xb9: {  	_ =	shalt  }

// kernel: kernel.19.cloned.1.call-start
scs
__scs_entry_jumppad:
0x0: {  	(pc) =	sbr.rel $0x88, $3  }
0x1: {  	(tag) =	ssettag $0x0;
	lr =	simm.s32 $0x1  }
0x2: {  	[smem:$0x3F9E] =	sst lr;
	_ =	strace $0xD0000000  }
0x3: {  	_ = 	snop  }
0x4: {  	_ = 	snop  }
0x5: {  	_ = 	snop  }
0x6: {  	_ = 	snop  }
0x7: {  	_ = 	snop  }
__scs_overlays_trampoline_lowered:
0x8: {  	[smem:$0x3FAD] =	sst s0  }
0x9: {  	[smem:$0x3FAE] =	sst s1  }
0xa: {  	[smem:$0x3FAF] =	sst s2  }
0xb: {  	[smem:$0x3FB0] =	sst s3  }
0xc: {  	[smem:$0x3FB1] =	sst s4  }
0xd: {  	[smem:$0x3FB2] =	sst s5  }
0xe: {  	[smem:$0x3FB3] =	sst s6  }
0xf: {  	[smem:$0x3FB4] =	sst s7  }
0x10: {  	[smem:$0x3FB5] =	sst s8  }
0x11: {  	[smem:$0x3FB6] =	sst s9;
	s0 =	simm.s32 @!p0 $0x0  }
0x12: {  	s1 =	sld [smem:$0x3F9C];
	s0 =	simm.s32 @p0 $0x1  }
0x13: {  	[smem:$0x3FB7] =	sst s0;
	s0 =	simm.s32 @!p1 $0x0  }
0x14: {  	s2 =	sld [smem:$0x3F9B];
	s0 =	simm.s32 @p1 $0x1  }
0x15: {  	[smem:$0x3FB8] =	sst s0;
	s0 =	simm.s32 @!p2 $0x0  }
0x16: {  	s3 =	sld [smem:$0x3FDB];
	s0 =	simm.s32 @p2 $0x1  }
0x17: {  	s4 =	simm.s32 $0x1BF5;
	[smem:$0x3FBA] =	sst s0  }
0x18: {  	s0 =	sld [smem:$0x3F9D];
	_ =	swait.ge [sflag:s4], $0x0  }
0x19: {  	s7 =	sld [smem:$0x3F9E]  }
0x1a: {  	s8 =	sadd.s32 $0xFFFFE003, lr  }
0x1b: {  	s9 =	sadd.s32 $0xFFFFFEF7, lr;
	s5 =	simm.s32 $0xFFFFFFFF;
	p2 =	slt.u32 s8, $0xFFFFF086  }
0x1c: {  	p1 =	slt.u32 s9, $0xF7A;
	s5 =	simm.s32 @!p2 $0x0  }
0x1d: {  	s5 =	simm.s32 @p1 $0x1;
	p0 =	seq.s32 s7, s2  }
0x1e: {  	s7 =	smul.u32 @!p0 $0xF7A, s2;
	p2 =	seq.s32 @!p0 s5, $0x0  }
0x1f: {  	s9 =	smul.u32 $0xF7A, s1;
	s8 =	simm.s32 @!p0 $0x1BF5;
	p2 =	por !p2, p0  }
0x20: {  	[sflag:s8] =	ssyncset.s32 @!p0 $0xFFFFF086;
	s6 =	sadd.s32 @!p0 s3, s7;
	s7 =	simm.s32 @!p0 $0x108  }
0x21: {  	s3 =	sadd.s32 s3, s9;
	s6 =	sadd.s32 @!p0 $0x88, s6;
	s7 =	simm.s32 @p2 $0x1082  }
0x22: {  	[simem:s7], [sflag:s8] =	dma.local @!p0 [hbm:s6], $0xF7A  }
0x23: {  	s9 =	sor.u32 $0xD0000000, s2;
	s6 =	simm.s32 $0x108;
	_ =	swait.ge @!p0 [sflag:s8], $0x0  }
0x24: {  	s3 =	sadd.s32 $0x88, s3;
	s6 =	simm.s32 @!p1 $0x1082;
	[sflag:s4] =	ssyncset.s32 $0xFFFFF086  }
0x25: {  	[simem:s6], [sflag:s4] =	dma.local [hbm:s3], $0xF7A  }
0x26: {  	[smem:$0x3F9E] =	sst s1;
	(tag) =	ssettag s2;
	_ =	strace s9  }
0x27: {  	s1 =	sld [smem:$0x3FAE]  }
0x28: {  	s2 =	sld [smem:$0x3FAF]  }
0x29: {  	s4 =	sld [smem:$0x3FB1]  }
0x2a: {  	p0 =	seq.s32 s5, $0x0;
	s5 =	sld [smem:$0x3FB2]  }
0x2b: {  	s6 =	sld [smem:$0x3FB3]  }
0x2c: {  	s7 =	sld [smem:$0x3FB4]  }
0x2d: {  	s3 =	simm.s32 $0x108;
	s8 =	sld [smem:$0x3FB5]  }
0x2e: {  	s3 =	simm.s32 @!p0 $0x1082;
	s9 =	sld [smem:$0x3FB6]  }
0x2f: {  	lr =	sadd.s32 s0, s3;
	s0 =	sld [smem:$0x3FAD]  }
0x30: {  	s3 =	sld [smem:$0x3FB0]  }
0x31: {  	[smem:$0x3FB9] =	sst s10  }
0x32: {  	s10 =	sld [smem:$0x3FB7];
	_ =	sdelay $0x3  }
0x33: {  	p0 =	seq.s32 s10, $0x1;
	s10 =	sld [smem:$0x3FB9];
	_ =	sdelay $0x3  }
0x34: {  	[smem:$0x3FB9] =	sst s10  }
0x35: {  	s10 =	sld [smem:$0x3FB8];
	_ =	sdelay $0x3  }
0x36: {  	p1 =	seq.s32 s10, $0x1;
	s10 =	sld [smem:$0x3FB9];
	_ =	sdelay $0x3  }
0x37: {  	[smem:$0x3FB9] =	sst s10  }
0x38: {  	s10 =	sld [smem:$0x3FBA]  }
0x39: {  	_ = 	snop;
	(pc) =	sbr.ind lr, $3  }
0x3a: {  	_ = 	snop  }
0x3b: {  	_ = 	snop  }
0x3c: {  	p2 =	seq.s32 s10, $0x1;
	s10 =	sld [smem:$0x3FB9]  }
0x3d: {  	_ =	shalt  }
0x3e: {  	_ =	shalt  }
0x3f: {  	_ =	shalt  }
0x40: {  	_ =	shalt  }
0x41: {  	_ =	shalt  }
0x42: {  	_ =	shalt  }
0x43: {  	_ =	shalt  }
0x44: {  	_ =	shalt  }
0x45: {  	_ =	shalt  }
0x46: {  	_ =	shalt  }
0x47: {  	_ =	shalt  }
0x48: {  	_ =	shalt  }
0x49: {  	_ =	shalt  }
0x4a: {  	_ =	shalt  }
0x4b: {  	_ =	shalt  }
0x4c: {  	_ =	shalt  }
0x4d: {  	_ =	shalt  }
0x4e: {  	_ =	shalt  }
0x4f: {  	_ =	shalt  }
0x50: {  	_ =	shalt  }
0x51: {  	_ =	shalt  }
0x52: {  	_ =	shalt  }
0x53: {  	_ =	shalt  }
0x54: {  	_ =	shalt  }
0x55: {  	_ =	shalt  }
0x56: {  	_ =	shalt  }
0x57: {  	_ =	shalt  }
0x58: {  	_ =	shalt  }
0x59: {  	_ =	shalt  }
0x5a: {  	_ =	shalt  }
0x5b: {  	_ =	shalt  }
0x5c: {  	_ =	shalt  }
0x5d: {  	_ =	shalt  }
0x5e: {  	_ =	shalt  }
0x5f: {  	_ =	shalt  }
0x60: {  	_ =	shalt  }
0x61: {  	_ =	shalt  }
0x62: {  	_ =	shalt  }
0x63: {  	_ =	shalt  }
0x64: {  	_ =	shalt  }
0x65: {  	_ =	shalt  }
0x66: {  	_ =	shalt  }
0x67: {  	_ =	shalt  }
0x68: {  	_ =	shalt  }
0x69: {  	_ =	shalt  }
0x6a: {  	_ =	shalt  }
0x6b: {  	_ =	shalt  }
0x6c: {  	_ =	shalt  }
0x6d: {  	_ =	shalt  }
0x6e: {  	_ =	shalt  }
0x6f: {  	_ =	shalt  }
0x70: {  	_ =	shalt  }
0x71: {  	_ =	shalt  }
0x72: {  	_ =	shalt  }
0x73: {  	_ =	shalt  }
0x74: {  	_ =	shalt  }
0x75: {  	_ =	shalt  }
0x76: {  	_ =	shalt  }
0x77: {  	_ =	shalt  }
0x78: {  	_ =	shalt  }
0x79: {  	_ =	shalt  }
0x7a: {  	_ =	shalt  }
0x7b: {  	_ =	shalt  }
0x7c: {  	_ =	shalt  }
0x7d: {  	_ =	shalt  }
0x7e: {  	_ =	shalt  }
0x7f: {  	_ =	shalt  }
0x80: {  	_ =	shalt  }
0x81: {  	_ =	shalt  }
0x82: {  	_ =	shalt  }
0x83: {  	_ =	shalt  }
0x84: {  	_ =	shalt  }
0x85: {  	_ =	shalt  }
0x86: {  	_ =	shalt  }
0x87: {  	_ =	shalt  }
.Lfunc_end0:
.L_simem_size_0:
called_computation.3_lowered:
.L_overlay_start_0:
0x88: {  	s2 =	sld [smem:$0x3FD9]  }
0x89: {  	s3 =	sld [smem:$0x3FFE];
	_ =	sdelay $0x1  }
0x8a: {  	s1 =	srdreg.scid  }
0x8b: {  	s0 =	sand.u32 $0x1, s1  }
0x8c: {  	s17 =	sshll.u32 s0, $0xA;
	s2 =	sadd.s32 s3, s2  }
0x8d: {  	s2 =	sadd.s32 s2, s17  }
0x8e: {  	[smem:$0x3FC5] =	sst s2  }
0x8f: {  	_ = 	snop  }
0x90: {  	(tm) =	ssettm $0x1  }
0x91: {  	s18 =	sld [smem:$0x3FFB];
	_ =	sdelay $0x3  }
0x92: {  	_ =	strace s18  }
0x93: {  	s2 =	sld [smem:$0x3FFC];
	_ =	sdelay $0x3  }
0x94: {  	_ =	strace s2  }
0x95: {  	s2 =	sld [smem:$0x3FFD];
	_ =	sdelay $0x3  }
0x96: {  	_ =	strace s2  }
0x97: {  	_ =	strace $0x8FFFFFFF  }
0x98: {  	s19 =	sld [smem:$0x3FDB];
	_ =	sdelay $0x1  }
0x99: {  	s20 =	simm.s32 $_scs_section_size  }
0x9a: {  	s4 =	simm.s32 $_size__tile_overlayer_lowered;
	s5 =	simm.s32 $_tile_overlayer_lowered  }
0x9b: {  	s6 =	simm.s32 $0x1BFF;
	s21 =	sshll.u32 s5, $0x1;
	s3 =	sadd.s32 s20, s19  }
0x9c: {  	s22 =	simm.s32 $0x0;
	s4 =	sshll.u32 s4, $0x1;
	s5 =	sadd.s32 s21, s3  }
0x9d: {  	[timem:s22], [sflag:s6] =	dma.local [hbm:s5], s4  }
0x9e: {  	_ =	swait.ge [sflag:s6], s4  }
0x9f: {  	s4 =	ssub.s32 $0x0, s4;
	[sflag:s6] =	ssyncset.done $0x0  }
0xa0: {  	[sflag:s6] =	ssyncadd.s32 s4;
	_ =	sdelay $0x1  }
0xa1: {  	s23 =	simm.s32 $0x1B8B  }
0xa2: {  	_ =	swait.ge [sflag:s23], $0x1  }
0xa3: {  	[sflag:s23] =	ssyncset.done $0x0  }
0xa4: {  	[sflag:s23] =	ssyncadd.s32 $0xFFFFFFFF  }
0xa5: {  	s4 =	sld [smem:$0x0]  }
0xa6: {  	s5 =	sand.u32 $0xFFFFFFFE, s1  }
0xa7: {  	p0 =	sne.s32 s1, s5  }
0xa8: {  	s5 =	sshll.u32 @p0 s5, $0xE  }
0xa9: {  	s5 =	sadd.s32 @p0 $0x11B8D, s5;
	s6 =	sshll.u32 @p0 s4, $0x11  }
0xaa: {  	s5 =	sor.u32 @p0 s6, s5  }
0xab: {  	[sflag:s5] =	ssyncadd.remote.s32 @p0 $0x1;
	_ =	sdelay $0x1  }
0xac: {  	s5 =	simm.s32 @p0 $0x1B8D  }
0xad: {  	_ =	swait.eq @p0 [sflag:s5], $0x1  }
0xae: {  	[sflag:s5] =	ssyncadd.s32 @p0 $0xFFFFFFFF  }
0xaf: {  	s6 =	sshll.u32 @!p0 s1, $0xE  }
0xb0: {  	s6 =	sor.u32 @!p0 $0x4000, s6;
	s5 =	simm.s32 @!p0 $0x1B8D  }
0xb1: {  	s4 =	sshll.u32 @!p0 s4, $0x11;
	s6 =	sadd.s32 @!p0 $0x11B8D, s6;
	_ =	swait.eq @!p0 [sflag:s5], $0x1  }
0xb2: {  	s4 =	sor.u32 @!p0 s4, s6;
	[sflag:s5] =	ssyncadd.s32 @!p0 $0xFFFFFFFF  }
0xb3: {  	s25 =	simm.s32 $0x1B8E;
	s24 =	sld [smem:$0x3FFE];
	[sflag:s4] =	ssyncadd.remote.s32 @!p0 $0x1  }
0xb4: {  	s26 =	simm.s32 $execute0_lowered;
	[smem:$0x3FD2] =	sst s25  }
0xb5: {  	s5 =	sshll.u32 s26, $0x1;
	_ =	strace $0x8000004F;
	[dreg:$0x1] =	wrdreg $0xFFFFFFFF  }
0xb6: {  	s28 =	simm.s32 $_size_execute0_lowered;
	s3 =	sadd.s32 s3, s5;
	[dreg:$0x0] =	wrdreg $0x0  }
0xb7: {  	s5 =	sshll.u32 s28, $0x1;
	[dreg:$0x2] =	wrdreg s3  }
0xb8: {  	[dreg:$0x3] =	wrdreg s5  }
0xb9: {  	[dreg:$0x4] =	wrdreg $0xC0  }
0xba: {  	_ =	task [dreg:s22], $0x5FFFF  }
0xbb: {  	[dreg:$0x1] =	wrdreg $0xFFFFFFFF  }
0xbc: {  	[dreg:$0x0] =	wrdreg $0x60  }
0xbd: {  	[dreg:$0x2] =	wrdreg s24  }
0xbe: {  	[dreg:$0x3] =	wrdreg $0xC  }
0xbf: {  	_ =	task.clear_ibuf [dreg:s22], $0x4FFFF;
	_ =	strace $0x9000004F  }
0xc0: {  	s29 =	simm.s32 $0xC;
	_ =	strace $0x80000051  }
0xc1: {  	_ =	swait.ge [sflag:s29], $0x1  }
0xc2: {  	[sflag:s29] =	ssyncadd.s32 $0xFFFFFFFF  }
0xc3: {  	_ =	strace $0x90000051  }
0xc4: {  	_ =	sfence  }
0xc5: {  	s30 =	sld [smem:$0x0];
	_ =	sdelay $0x2  }
0xc6: {  	s31 =	sshll.u32 s1, $0xD;
	s1 =	sshrl.u32 s1, $0x2  }
0xc7: {  	s4 =	sand.u32 $0x4000, s31;
	s1 =	sadd.s32 s1, s30  }
0xc8: {  	s0 =	sor.u32 s4, s0;
	s1 =	sshll.u32 s1, $0x11  }
0xc9: {  	s0 =	sor.u32 s1, s0  }
0xca: {  	s0 =	sadd.s32 $0x8F2B, s0  }
0xcb: {  	[sflag:s0] =	ssyncadd.remote.s32 $0x1  }
0xcc: {  	_ =	sfence.sel $0xFFFF  }
0xcd: {  	[dreg:$0x0] =	wrdreg $0xFFFFFFFF;
	(pc) =	sbr.abs _section_cstart, $3  }
0xce: {  	[dreg:$0x1] =	wrdreg $0xFFFFFFFF  }
0xcf: {  	_ =	task.clear_ibuf [dreg:s22], $0x2FFFF;
	_ =	strace $0x9FFFFFFF  }
0xd0: {  	(tm) =	ssettm $0x7FFFFFFF  }
0xd1: {  	_ =	shalt  }
tec
execute0_lowered:
.L_overlay_start_1:
0x0: {  	(tag) =	ssettag $0x1  }
0x1: {  	s1 =	srdreg.scid;
	s0 =	stileid.u32  }
0x2: {  	s14 =	sand.u32 $0x1, s1;
	s30 =	sshll.u32 s0, $0x1  }
0x3: {  	s1 =	sor.u32 s14, s30  }
0x4: {  	s12 =	rddreg [dreg:$0x0];
	s2 =	simm.s32 $0x0;
	s3 =	smul.u32 $0x3200, s1  }
0x5: {  	[smem:$0x7FF] =	sst s2  }
0x6: {  	s4 =	sadd.s32 $0xAB000, s12;
	s1 =	rddreg [dreg:$0x1];
	s13 =	sshrl.u32 s3, $0x3  }
0x7: {  	_ =	strace $0x80000050;
	s3 =	sadd.s32 s4, s13;
	s15 =	sadd.s32 $0x320, s13  }
0x8: {  	[tilespmem:s2], [sflag:$0x1] =	stream.linear.gather [hbm4b:s3+s2], $0x1900, $0x38;
	[tilespmem:$0x6400] =	vst v63  }
0x9: {  	s5 =	simm.s32 $0x1900;
	s6 =	simm.s32 $0x1;
	s4 =	sadd.s32 s4, s15  }
0xa: {  	[tilespmem:s5], [sflag:$0x2] =	stream.linear.gather [hbm4b:s4+s2], $0x1900, $0x38;
	[tilespmem:$0x6400] =	vst v63  }
0xb: {  	_ =	swait.ge [sflag:s6], $0x1900  }
0xc: {  	s8 =	simm.s32 $0x3200;
	[sflag:s6] =	ssyncset.done $0x0  }
0xd: {  	s9 =	simm.s32 $0x2;
	s7 =	sadd.s32 $0xF600, s12;
	[sflag:s6] =	ssyncadd.s32 $0xFFFFE700  }
0xe: {  	[tilespmem:s8], [sflag:$0x5] =	stream.indirect.gather [hbm4b:s7+s5], $0x1, s2, s5, $0xb8;
	[tilespmem:$0x6400] =	vst v63  }
0xf: {  	_ =	swait.ge [sflag:s9], $0x1900  }
0x10: {  	[sflag:s9] =	ssyncset.done $0x0  }
0x11: {  	s10 =	simm.s32 $0x4B00;
	s11 =	simm.s32 $0x5;
	[sflag:s9] =	ssyncadd.s32 $0xFFFFE700  }
0x12: {  	[tilespmem:s10], [sflag:$0x6] =	stream.indirect.gather [hbm4b:s7+s5], $0x1, s5, s5, $0xb8;
	[tilespmem:$0x6400] =	vst v63  }
0x13: {  	s17 =	ssub.s32 $0x2, s14;
	_ =	swait.ge [sflag:s11], $0x1900  }
0x14: {  	s16 =	sadd.s32 $0xB7800, s12;
	s31 =	sshrl.u32 s17, $0x1;
	[sflag:s11] =	ssyncset.done $0x0  }
0x15: {  	s12 =	sadd.s32 s16, s13;
	s13 =	simm.s32 $0x6;
	[sflag:s11] =	ssyncadd.s32 $0xFFFFE700  }
0x16: {  	[hbm4b:s12+s2] =	stream.linear.scatter [tilespmem:s8], [sflag:$0x3], $0x1900, $0x38;
	[tilespmem:$0x6400] =	vst v63  }
0x17: {  	s14 =	sadd.s32 s16, s15;
	s16 =	ssub.s32 s17, s31;
	_ =	swait.ge [sflag:s13], $0x1900  }
0x18: {  	s17 =	smax.u32 s16, $0x1;
	[sflag:s13] =	ssyncset.done $0x0  }
0x19: {  	s15 =	simm.s32 $0x3;
	p0 =	sne.s32 s17, $0x1;
	[sflag:s13] =	ssyncadd.s32 $0xFFFFE700  }
0x1a: {  	[hbm4b:s14+s2] =	stream.linear.scatter [tilespmem:s10], [sflag:$0x4], $0x1900, $0x38;
	[tilespmem:$0x6400] =	vst v63  }
.Ltmp0:
0x1b: {  	_ =	swait.ge [sflag:s15], $0x1900;
	(pc) =	sbr.rel @!p0 .LBB2_2-.Ltmp0, $4  }
0x1c: {  	[sflag:s15] =	ssyncset.done $0x0  }
0x1d: {  	s16 =	simm.s32 $0x4;
	[sflag:s15] =	ssyncadd.s32 $0xFFFFE700  }
0x1e: {  	_ =	swait.ge [sflag:s16], $0x1900  }
0x1f: {  	s17 =	sadd.s32 $0xFFFFFFFF, s17;
	[sflag:s16] =	ssyncset.done $0x0  }
.LBB2_1:
0x20: {  	p0 =	sne.s32 s17, $0x1;
	s17 =	sadd.s32 $0xFFFFFFFF, s17;
	[sflag:s16] =	ssyncadd.s32 $0xFFFFE700  }
0x21: {  	[tilespmem:s2], [sflag:$0x1] =	stream.linear.gather [hbm4b:s3+s2], $0x1900, $0x38;
	[tilespmem:$0x6400] =	vst v63  }
0x22: {  	_ = 	snop  }
0x23: {  	[tilespmem:s5], [sflag:$0x2] =	stream.linear.gather [hbm4b:s4+s2], $0x1900, $0x38;
	[tilespmem:$0x6400] =	vst v63  }
0x24: {  	_ =	swait.ge [sflag:s6], $0x1900  }
0x25: {  	[sflag:s6] =	ssyncset.done $0x0  }
0x26: {  	[sflag:s6] =	ssyncadd.s32 $0xFFFFE700  }
0x27: {  	[tilespmem:s8], [sflag:$0x5] =	stream.indirect.gather [hbm4b:s7+s5], $0x1, s2, s5, $0xb8;
	[tilespmem:$0x6400] =	vst v63  }
0x28: {  	_ =	swait.ge [sflag:s9], $0x1900  }
0x29: {  	[sflag:s9] =	ssyncset.done $0x0  }
0x2a: {  	[sflag:s9] =	ssyncadd.s32 $0xFFFFE700  }
0x2b: {  	[tilespmem:s10], [sflag:$0x6] =	stream.indirect.gather [hbm4b:s7+s5], $0x1, s5, s5, $0xb8;
	[tilespmem:$0x6400] =	vst v63  }
0x2c: {  	_ =	swait.ge [sflag:s11], $0x1900  }
0x2d: {  	[sflag:s11] =	ssyncset.done $0x0  }
0x2e: {  	[sflag:s11] =	ssyncadd.s32 $0xFFFFE700  }
0x2f: {  	[hbm4b:s12+s2] =	stream.linear.scatter [tilespmem:s8], [sflag:$0x3], $0x1900, $0x38;
	[tilespmem:$0x6400] =	vst v63  }
0x30: {  	_ =	swait.ge [sflag:s13], $0x1900  }
0x31: {  	[sflag:s13] =	ssyncset.done $0x0  }
0x32: {  	[sflag:s13] =	ssyncadd.s32 $0xFFFFE700  }
0x33: {  	[hbm4b:s14+s2] =	stream.linear.scatter [tilespmem:s10], [sflag:$0x4], $0x1900, $0x38;
	[tilespmem:$0x6400] =	vst v63  }
.Ltmp1:
0x34: {  	_ =	swait.ge [sflag:s15], $0x1900;
	(pc) =	sbr.rel @p0 .LBB2_1-.Ltmp1, $4  }
0x35: {  	[sflag:s15] =	ssyncset.done $0x0  }
0x36: {  	[sflag:s15] =	ssyncadd.s32 $0xFFFFE700  }
0x37: {  	_ =	swait.ge [sflag:s16], $0x1900  }
0x38: {  	[sflag:s16] =	ssyncset.done $0x0  }
.LBB2_2:
0x39: {  	[sflag:s16] =	ssyncadd.s32 $0xFFFFE700  }
0x3a: {  	_ =	sfence.sel $0x180000  }
0x3b: {  	[bflag:$0x0] =	sbarrier.arrive $0xFFFF  }
0x3c: {  	p0 =	sne.s32 s0, $0x0;
	_ =	strace $0x90000050  }
0x3d: {  	s0 =	sadd.s32 @!p0 $0x100000, s1;
	[bflag:$0x2] =	sbarrier.arrive $0xFFFF  }
0x3e: {  	[sflag:s0] =	ssyncadd.tile.s32 @!p0 $0x1;
	_ =	shalt  }
.Lfunc_end2:
_tile_overlayer_lowered:
.L_overlay_start_2:
0x3f: {  	(tag) =	ssettag $0x2  }
0x40: {  	s0 =	rddreg [dreg:$0x0];
	s2 =	stileid.u32  }
0x41: {  	s1 =	rddreg [dreg:$0x1];
	p0 =	sne.s32 s2, $0x0  }
0x42: {  	s3 =	rddreg [dreg:$0x2];
	[bflag:$0x3] =	sbarrier.arrive $0xFFFF;
	s2 =	simm.s32 @!p0 $0x1C07  }
0x43: {  	[timem:s3], [sflag:s2] =	dma.local @!p0 [hbm:s0], s1  }
0x44: {  	s0 =	simm.s32 @!p0 $0x7  }
0x45: {  	_ =	swait.ge @!p0 [sflag:s0], s1  }
0x46: {  	s1 =	ssub.s32 @!p0 $0x0, s1;
	[sflag:s0] =	ssyncset.done @!p0 $0x0  }
0x47: {  	[sflag:s0] =	ssyncadd.s32 @!p0 s1  }
0x48: {  	[bflag:$0x3] =	sbarrier.arrive $0xFFFF  }
0x49: {  	_ =	shalt  }

</sc_bundles>
